<compile_context>
chip_gen: v7x
topology: tpu7x:2x2x1
jax: 0.10.2.dev20260603
libtpu: 0.0.44.dev20260713+nightly
codegen_flags: <defaults>
</compile_context>

<pallas_src>
import functools

import jax
import jax.numpy as jnp
from jax import lax
from jax.experimental import pallas as pl
from jax.experimental.pallas import tpu as pltpu
from jax.experimental.pallas import tpu_sc as plsc


def _make_gather(Bb: int, S: int, D: int, vocab: int):
    info = plsc.get_sparse_core_info()
    nw = info.num_cores * info.num_subcores
    b_per_w = (Bb * S) // nw
    assert S % b_per_w == 0
    wpr = S // b_per_w
    ch = 16
    n_ch = b_per_w // ch
    mesh = plsc.VectorSubcoreMesh(core_axis_name="c", subcore_axis_name="s")

    @functools.partial(
        pl.kernel,
        mesh=mesh,
        out_type=(
            jax.ShapeDtypeStruct((Bb, S, D), jnp.float32),
            jax.ShapeDtypeStruct((Bb, S), jnp.int32),
        ),
        scratch_types=[
            pltpu.VMEM((b_per_w,), jnp.int32),
            pltpu.VMEM((b_per_w,), jnp.int32),
            pltpu.VMEM((3, 2 * ch, D), jnp.float32),
        ] + [pltpu.SemaphoreType.DMA] * (6 + 3 + 1),
    )
    def gather(table_hbm, idx_hbm,
               out_hbm, idx_out,
               idx_v, idx_c, rows_v, *sems):
        gsem, wsem = sems[:6], sems[6:9]
        s_wi = sems[9]
        wid = lax.axis_index("s") * info.num_cores + lax.axis_index("c")
        row = wid // wpr
        col = (wid % wpr) * b_per_w
        span = pl.ds(col, b_per_w)

        pltpu.sync_copy(idx_hbm.at[row, span], idx_v)
        for t in range(b_per_w // 16):
            sl = pl.ds(t * 16, 16)
            idx_c[sl] = jnp.clip(idx_v[sl], 0, vocab - 1)
        wi = pltpu.async_copy(idx_v, idx_out.at[row, span], s_wi)

        n_mac = n_ch // 2
        ahead = 4

        def start_gather(i):
            m, p = i // 2, i % 2
            return pltpu.async_copy(
                table_hbm.at[idx_c.at[pl.ds(i * ch, ch)]],
                rows_v.at[m % 3, pl.ds(p * ch, ch)], gsem[i % 6])

        def start_write(m):
            return pltpu.async_copy(
                rows_v.at[m % 3],
                out_hbm.at[row, pl.ds(col + m * 2 * ch, 2 * ch)],
                wsem[m % 3])

        gathers = [None] * n_ch
        writes = [None] * n_mac
        for j in range(ahead):
            gathers[j] = start_gather(j)
        for i in range(n_ch):
            j = i + ahead
            if j < n_ch:
                if j % 2 == 0 and j // 2 >= 3:
                    writes[j // 2 - 3].wait()
                gathers[j] = start_gather(j)
            gathers[i].wait()
            if i % 2 == 1:
                writes[i // 2] = start_write(i // 2)
        for m in range(n_mac - 3, n_mac):
            writes[m].wait()
        wi.wait()

    return gather


def kernel(ids, ids_valid, ids_mask, embed_table):
    vocab, d = embed_table.shape
    b, s = ids.shape
    out, ids_out = _make_gather(b, s, d, vocab)(embed_table, ids)
    return (out, ids_valid, ids_out, ids_mask)

# --- scband reference (transcript-rebuilt; emitter-appended) ---
"""Pipeline reference for scband-language-adaptor-77833397338164 (READ-ONLY COPY).

The authoritative reference and input builder live on the scoring server;
editing this copy changes nothing except your own understanding.
"""

import jax, jax.numpy as jnp
import numpy as np

VOCAB = 100000
D = 1024
B, S = 4, 2048


def setup_inputs(seed: int = 0) -> dict:
    key = jax.random.key(seed)
    k1, k2 = jax.random.split(key)
    ids = jax.random.randint(k1, (B, S), 0, VOCAB, dtype=jnp.int32)
    ids_valid = jnp.ones((B, S), dtype=jnp.bool_)
    ids_mask = jnp.ones((B, S), dtype=jnp.bool_)
    embed_table = jax.random.normal(k2, (VOCAB, D), dtype=jnp.float32) * 0.02
    return {"ids": ids, "ids_valid": ids_valid, "ids_mask": ids_mask, "embed_table": embed_table}


def reference(ids, ids_valid, ids_mask, embed_table):
    # Faithful translation of LanguageAdaptor.forward:
    #   ids = label.phrase_ids.long()
    #   inputs = self.embed_tokens(ids.clamp(min=0, max=num_embeddings - 1))
    num_embeddings = embed_table.shape[0]
    ids_clamped = jnp.clip(ids, 0, num_embeddings - 1)
    inputs = jnp.take(embed_table, ids_clamped, axis=0)
    # returns {'inputs': inputs, 'inputs_mask': ids_valid, '_ids': ids, '_ids_mask': ids_mask}
    return (inputs, ids_valid, ids, ids_mask)

if __name__ == "__main__":
    import jax
    _d = setup_inputs()
    print(jax.jit(kernel)(*tuple(_d.values())))

</pallas_src>

<mosaic_0001>
#map = affine_map<(d0, d1) -> (0, 0)>
#map1 = affine_map<(d0, d1) -> (0, 0, 0)>
module attributes {stable_mosaic.version = 14 : i64} {
  func.func @gather(%arg0: i32, %arg1: i32, %arg2: memref<100000x1024xf32, #tpu.memory_space<hbm>>, %arg3: memref<4x2048xi32, #tpu.memory_space<hbm>>, %arg4: memref<4x2048x1024xf32, #tpu.memory_space<hbm>>, %arg5: memref<4x2048xi32, #tpu.memory_space<hbm>>, %arg6: memref<256xi32, #tpu.memory_space<vmem>>, %arg7: memref<256xi32, #tpu.memory_space<vmem>>, %arg8: memref<3x32x1024xf32, #tpu.memory_space<vmem>>, %arg9: memref<!tpu.dma_semaphore, #tpu.memory_space<semaphore_mem>>, %arg10: memref<!tpu.dma_semaphore, #tpu.memory_space<semaphore_mem>>, %arg11: memref<!tpu.dma_semaphore, #tpu.memory_space<semaphore_mem>>, %arg12: memref<!tpu.dma_semaphore, #tpu.memory_space<semaphore_mem>>, %arg13: memref<!tpu.dma_semaphore, #tpu.memory_space<semaphore_mem>>, %arg14: memref<!tpu.dma_semaphore, #tpu.memory_space<semaphore_mem>>, %arg15: memref<!tpu.dma_semaphore, #tpu.memory_space<semaphore_mem>>, %arg16: memref<!tpu.dma_semaphore, #tpu.memory_space<semaphore_mem>>, %arg17: memref<!tpu.dma_semaphore, #tpu.memory_space<semaphore_mem>>, %arg18: memref<!tpu.dma_semaphore, #tpu.memory_space<semaphore_mem>>) attributes {dimension_semantics = [#tpu.dimension_semantics<core_parallel>, #tpu.dimension_semantics<subcore_parallel>], iteration_bounds = array<i64: 2, 16>, scalar_prefetch = 0 : i64, scratch_operands = 13 : i64, tpu.core_type = #tpu.core_type<sc_vector_subcore>, window_params = [{transform_indices = #map}, {transform_indices = #map}, {transform_indices = #map1}, {transform_indices = #map}]} {
    %mul3A = arith.constant 2 : i32
    %mul3A_0 = arith.muli %arg1, %mul3A : i32
    %add3A = arith.addi %mul3A_0, %arg0 : i32
    %jit3A = arith.constant 8 : i32
    %div3A = arith.divsi %add3A, %jit3A : i32
    %sign3A = arith.constant 0 : i32
    %sign3A_1 = arith.cmpi sgt, %add3A, %sign3A : i32
    %sign3A_2 = arith.extui %sign3A_1 : i1 to i32
    %sign3A_3 = arith.constant 0 : i32
    %sign3A_4 = arith.cmpi slt, %add3A, %sign3A_3 : i32
    %sign3A_5 = arith.extui %sign3A_4 : i1 to i32
    %sign3A_6 = arith.subi %sign3A_2, %sign3A_5 : i32
    %sign3A_7 = arith.constant 0 : i32
    %sign3A_8 = arith.cmpi sgt, %jit3A, %sign3A_7 : i32
    %sign3A_9 = arith.extui %sign3A_8 : i1 to i32
    %sign3A_10 = arith.constant 0 : i32
    %sign3A_11 = arith.cmpi slt, %jit3A, %sign3A_10 : i32
    %sign3A_12 = arith.extui %sign3A_11 : i1 to i32
    %sign3A_13 = arith.subi %sign3A_9, %sign3A_12 : i32
    %ne3A = arith.cmpi ne, %sign3A_6, %sign3A_13 : i32
    %rem3A = arith.remsi %add3A, %jit3A : i32
    %ne3A_14 = arith.constant 0 : i32
    %ne3A_15 = arith.cmpi ne, %rem3A, %ne3A_14 : i32
    %and3A = arith.andi %ne3A, %ne3A_15 : i1
    %sub3A = arith.constant 1 : i32
    %sub3A_16 = arith.subi %div3A, %sub3A : i32
    %select_n3A = arith.select %and3A, %sub3A_16, %div3A : i32
    %jit3A_17 = arith.constant 8 : i32
    %eq3A = arith.constant 0 : i32
    %eq3A_18 = arith.cmpi eq, %jit3A_17, %eq3A : i32
    %jit3A_19 = arith.constant 1 : i32
    %select_n3A_20 = arith.select %eq3A_18, %jit3A_19, %jit3A_17 : i32
    %rem3A_21 = arith.remsi %add3A, %select_n3A_20 : i32
    %ne3A_22 = arith.constant 0 : i32
    %ne3A_23 = arith.cmpi ne, %rem3A_21, %ne3A_22 : i32
    %lt3A = arith.constant 0 : i32
    %lt3A_24 = arith.cmpi slt, %rem3A_21, %lt3A : i32
    %lt3A_25 = arith.constant 0 : i32
    %lt3A_26 = arith.cmpi slt, %select_n3A_20, %lt3A_25 : i32
    %ne3A_27 = arith.xori %lt3A_24, %lt3A_26 : i1
    %and3A_28 = arith.andi %ne3A_27, %ne3A_23 : i1
    %add3A_29 = arith.addi %rem3A_21, %select_n3A_20 : i32
    %select_n3A_30 = arith.select %and3A_28, %add3A_29, %rem3A_21 : i32
    %mul3A_31 = arith.constant 256 : i32
    %mul3A_32 = arith.muli %select_n3A_30, %mul3A_31 : i32
    "tpu.region"() ({
      %run_scoped3A = tpu.sem_alloc : memref<!tpu.dma_semaphore, #tpu.memory_space<semaphore_mem>>
      %dma_start3A_819 = tpu.memref_slice %arg3[%select_n3A, %mul3A_32] : memref<4x2048xi32, #tpu.memory_space<hbm>> -> memref<1x256xi32, #tpu.memory_space<hbm>>
      %dma_start3A_820 = tpu.memref_squeeze %dma_start3A_819 : memref<1x256xi32, #tpu.memory_space<hbm>> -> memref<256xi32, #tpu.memory_space<hbm>>
      %dma_start3A_821 = tpu.memref_slice %arg3[%select_n3A, %mul3A_32] : memref<4x2048xi32, #tpu.memory_space<hbm>> -> memref<1x256xi32, #tpu.memory_space<hbm>>
      %dma_start3A_822 = tpu.memref_squeeze %dma_start3A_821 : memref<1x256xi32, #tpu.memory_space<hbm>> -> memref<256xi32, #tpu.memory_space<hbm>>
      tpu.enqueue_dma source(%dma_start3A_822 : memref<256xi32, #tpu.memory_space<hbm>>) target(%arg6 : memref<256xi32, #tpu.memory_space<vmem>>) target_semaphore(%run_scoped3A : memref<!tpu.dma_semaphore, #tpu.memory_space<semaphore_mem>>)
      %dma_wait3A_823 = tpu.memref_slice %arg3[%select_n3A, %mul3A_32] : memref<4x2048xi32, #tpu.memory_space<hbm>> -> memref<1x256xi32, #tpu.memory_space<hbm>>
      %dma_wait3A_824 = tpu.memref_squeeze %dma_wait3A_823 : memref<1x256xi32, #tpu.memory_space<hbm>> -> memref<256xi32, #tpu.memory_space<hbm>>
      %dma_wait3A_825 = tpu.memref_slice %arg3[%select_n3A, %mul3A_32] : memref<4x2048xi32, #tpu.memory_space<hbm>> -> memref<1x256xi32, #tpu.memory_space<hbm>>
      %dma_wait3A_826 = tpu.memref_squeeze %dma_wait3A_825 : memref<1x256xi32, #tpu.memory_space<hbm>> -> memref<256xi32, #tpu.memory_space<hbm>>
      tpu.wait_dma2 semaphore(%run_scoped3A : memref<!tpu.dma_semaphore, #tpu.memory_space<semaphore_mem>>) src(%dma_wait3A_826 : memref<256xi32, #tpu.memory_space<hbm>>) dst(%arg6 : memref<256xi32, #tpu.memory_space<vmem>>)
      tpu.yield
    }) : () -> ()
    %get3A = arith.constant 0 : index
    %get3A_33 = tpu.vector_load %arg6[%get3A] {strides = array<i32>} : memref<256xi32, #tpu.memory_space<vmem>>, vector<16xi32>,
    %get3A_34 = vector.shape_cast %get3A_33 : vector<16xi32> to vector<16xi32>
    %jit3A_35 = arith.constant 0 : i32
    %jit3A_36 = arith.constant 99999 : i32
    %max3A = vector.broadcast %jit3A_35 : i32 to vector<16xi32>
    %max3A_37 = arith.maxsi %max3A, %get3A_34 : vector<16xi32>
    %min3A = vector.broadcast %jit3A_36 : i32 to vector<16xi32>
    %min3A_38 = arith.minsi %min3A, %max3A_37 : vector<16xi32>
    %swap3A = arith.constant 0 : index
    %swap3A_39 = tpu.vector_load %arg7[%swap3A] {strides = array<i32>} : memref<256xi32, #tpu.memory_space<vmem>>, vector<16xi32>,
    %swap3A_40 = vector.shape_cast %swap3A_39 : vector<16xi32> to vector<16xi32>
    %swap3A_41 = vector.shape_cast %min3A_38 : vector<16xi32> to vector<16xi32>
    tpu.vector_store %arg7[%swap3A], %swap3A_41 {strides = array<i32>} : memref<256xi32, #tpu.memory_space<vmem>>, vector<16xi32>,
    %get3A_42 = arith.constant 16 : index
    %get3A_43 = tpu.vector_load %arg6[%get3A_42] {strides = array<i32>} : memref<256xi32, #tpu.memory_space<vmem>>, vector<16xi32>,
    %get3A_44 = vector.shape_cast %get3A_43 : vector<16xi32> to vector<16xi32>
    %jit3A_45 = arith.constant 0 : i32
    %jit3A_46 = arith.constant 99999 : i32
    %max3A_47 = vector.broadcast %jit3A_45 : i32 to vector<16xi32>
    %max3A_48 = arith.maxsi %max3A_47, %get3A_44 : vector<16xi32>
    %min3A_49 = vector.broadcast %jit3A_46 : i32 to vector<16xi32>
    %min3A_50 = arith.minsi %min3A_49, %max3A_48 : vector<16xi32>
    %swap3A_51 = arith.constant 16 : index
    %swap3A_52 = tpu.vector_load %arg7[%swap3A_51] {strides = array<i32>} : memref<256xi32, #tpu.memory_space<vmem>>, vector<16xi32>,
    %swap3A_53 = vector.shape_cast %swap3A_52 : vector<16xi32> to vector<16xi32>
    %swap3A_54 = vector.shape_cast %min3A_50 : vector<16xi32> to vector<16xi32>
    tpu.vector_store %arg7[%swap3A_51], %swap3A_54 {strides = array<i32>} : memref<256xi32, #tpu.memory_space<vmem>>, vector<16xi32>,
    %get3A_55 = arith.constant 32 : index
    %get3A_56 = tpu.vector_load %arg6[%get3A_55] {strides = array<i32>} : memref<256xi32, #tpu.memory_space<vmem>>, vector<16xi32>,
    %get3A_57 = vector.shape_cast %get3A_56 : vector<16xi32> to vector<16xi32>
    %jit3A_58 = arith.constant 0 : i32
    %jit3A_59 = arith.constant 99999 : i32
    %max3A_60 = vector.broadcast %jit3A_58 : i32 to vector<16xi32>
    %max3A_61 = arith.maxsi %max3A_60, %get3A_57 : vector<16xi32>
    %min3A_62 = vector.broadcast %jit3A_59 : i32 to vector<16xi32>
    %min3A_63 = arith.minsi %min3A_62, %max3A_61 : vector<16xi32>
    %swap3A_64 = arith.constant 32 : index
    %swap3A_65 = tpu.vector_load %arg7[%swap3A_64] {strides = array<i32>} : memref<256xi32, #tpu.memory_space<vmem>>, vector<16xi32>,
    %swap3A_66 = vector.shape_cast %swap3A_65 : vector<16xi32> to vector<16xi32>
    %swap3A_67 = vector.shape_cast %min3A_63 : vector<16xi32> to vector<16xi32>
    tpu.vector_store %arg7[%swap3A_64], %swap3A_67 {strides = array<i32>} : memref<256xi32, #tpu.memory_space<vmem>>, vector<16xi32>,
    %get3A_68 = arith.constant 48 : index
    %get3A_69 = tpu.vector_load %arg6[%get3A_68] {strides = array<i32>} : memref<256xi32, #tpu.memory_space<vmem>>, vector<16xi32>,
    %get3A_70 = vector.shape_cast %get3A_69 : vector<16xi32> to vector<16xi32>
    %jit3A_71 = arith.constant 0 : i32
    %jit3A_72 = arith.constant 99999 : i32
    %max3A_73 = vector.broadcast %jit3A_71 : i32 to vector<16xi32>
    %max3A_74 = arith.maxsi %max3A_73, %get3A_70 : vector<16xi32>
    %min3A_75 = vector.broadcast %jit3A_72 : i32 to vector<16xi32>
    %min3A_76 = arith.minsi %min3A_75, %max3A_74 : vector<16xi32>
    %swap3A_77 = arith.constant 48 : index
    %swap3A_78 = tpu.vector_load %arg7[%swap3A_77] {strides = array<i32>} : memref<256xi32, #tpu.memory_space<vmem>>, vector<16xi32>,
    %swap3A_79 = vector.shape_cast %swap3A_78 : vector<16xi32> to vector<16xi32>
    %swap3A_80 = vector.shape_cast %min3A_76 : vector<16xi32> to vector<16xi32>
    tpu.vector_store %arg7[%swap3A_77], %swap3A_80 {strides = array<i32>} : memref<256xi32, #tpu.memory_space<vmem>>, vector<16xi32>,
    %get3A_81 = arith.constant 64 : index
    %get3A_82 = tpu.vector_load %arg6[%get3A_81] {strides = array<i32>} : memref<256xi32, #tpu.memory_space<vmem>>, vector<16xi32>,
    %get3A_83 = vector.shape_cast %get3A_82 : vector<16xi32> to vector<16xi32>
    %jit3A_84 = arith.constant 0 : i32
    %jit3A_85 = arith.constant 99999 : i32
    %max3A_86 = vector.broadcast %jit3A_84 : i32 to vector<16xi32>
    %max3A_87 = arith.maxsi %max3A_86, %get3A_83 : vector<16xi32>
    %min3A_88 = vector.broadcast %jit3A_85 : i32 to vector<16xi32>
    %min3A_89 = arith.minsi %min3A_88, %max3A_87 : vector<16xi32>
    %swap3A_90 = arith.constant 64 : index
    %swap3A_91 = tpu.vector_load %arg7[%swap3A_90] {strides = array<i32>} : memref<256xi32, #tpu.memory_space<vmem>>, vector<16xi32>,
    %swap3A_92 = vector.shape_cast %swap3A_91 : vector<16xi32> to vector<16xi32>
    %swap3A_93 = vector.shape_cast %min3A_89 : vector<16xi32> to vector<16xi32>
    tpu.vector_store %arg7[%swap3A_90], %swap3A_93 {strides = array<i32>} : memref<256xi32, #tpu.memory_space<vmem>>, vector<16xi32>,
    %get3A_94 = arith.constant 80 : index
    %get3A_95 = tpu.vector_load %arg6[%get3A_94] {strides = array<i32>} : memref<256xi32, #tpu.memory_space<vmem>>, vector<16xi32>,
    %get3A_96 = vector.shape_cast %get3A_95 : vector<16xi32> to vector<16xi32>
    %jit3A_97 = arith.constant 0 : i32
    %jit3A_98 = arith.constant 99999 : i32
    %max3A_99 = vector.broadcast %jit3A_97 : i32 to vector<16xi32>
    %max3A_100 = arith.maxsi %max3A_99, %get3A_96 : vector<16xi32>
    %min3A_101 = vector.broadcast %jit3A_98 : i32 to vector<16xi32>
    %min3A_102 = arith.minsi %min3A_101, %max3A_100 : vector<16xi32>
    %swap3A_103 = arith.constant 80 : index
    %swap3A_104 = tpu.vector_load %arg7[%swap3A_103] {strides = array<i32>} : memref<256xi32, #tpu.memory_space<vmem>>, vector<16xi32>,
    %swap3A_105 = vector.shape_cast %swap3A_104 : vector<16xi32> to vector<16xi32>
    %swap3A_106 = vector.shape_cast %min3A_102 : vector<16xi32> to vector<16xi32>
    tpu.vector_store %arg7[%swap3A_103], %swap3A_106 {strides = array<i32>} : memref<256xi32, #tpu.memory_space<vmem>>, vector<16xi32>,
    %get3A_107 = arith.constant 96 : index
    %get3A_108 = tpu.vector_load %arg6[%get3A_107] {strides = array<i32>} : memref<256xi32, #tpu.memory_space<vmem>>, vector<16xi32>,
    %get3A_109 = vector.shape_cast %get3A_108 : vector<16xi32> to vector<16xi32>
    %jit3A_110 = arith.constant 0 : i32
    %jit3A_111 = arith.constant 99999 : i32
    %max3A_112 = vector.broadcast %jit3A_110 : i32 to vector<16xi32>
    %max3A_113 = arith.maxsi %max3A_112, %get3A_109 : vector<16xi32>
    %min3A_114 = vector.broadcast %jit3A_111 : i32 to vector<16xi32>
    %min3A_115 = arith.minsi %min3A_114, %max3A_113 : vector<16xi32>
    %swap3A_116 = arith.constant 96 : index
    %swap3A_117 = tpu.vector_load %arg7[%swap3A_116] {strides = array<i32>} : memref<256xi32, #tpu.memory_space<vmem>>, vector<16xi32>,
    %swap3A_118 = vector.shape_cast %swap3A_117 : vector<16xi32> to vector<16xi32>
    %swap3A_119 = vector.shape_cast %min3A_115 : vector<16xi32> to vector<16xi32>
    tpu.vector_store %arg7[%swap3A_116], %swap3A_119 {strides = array<i32>} : memref<256xi32, #tpu.memory_space<vmem>>, vector<16xi32>,
    %get3A_120 = arith.constant 112 : index
    %get3A_121 = tpu.vector_load %arg6[%get3A_120] {strides = array<i32>} : memref<256xi32, #tpu.memory_space<vmem>>, vector<16xi32>,
    %get3A_122 = vector.shape_cast %get3A_121 : vector<16xi32> to vector<16xi32>
    %jit3A_123 = arith.constant 0 : i32
    %jit3A_124 = arith.constant 99999 : i32
    %max3A_125 = vector.broadcast %jit3A_123 : i32 to vector<16xi32>
    %max3A_126 = arith.maxsi %max3A_125, %get3A_122 : vector<16xi32>
    %min3A_127 = vector.broadcast %jit3A_124 : i32 to vector<16xi32>
    %min3A_128 = arith.minsi %min3A_127, %max3A_126 : vector<16xi32>
    %swap3A_129 = arith.constant 112 : index
    %swap3A_130 = tpu.vector_load %arg7[%swap3A_129] {strides = array<i32>} : memref<256xi32, #tpu.memory_space<vmem>>, vector<16xi32>,
    %swap3A_131 = vector.shape_cast %swap3A_130 : vector<16xi32> to vector<16xi32>
    %swap3A_132 = vector.shape_cast %min3A_128 : vector<16xi32> to vector<16xi32>
    tpu.vector_store %arg7[%swap3A_129], %swap3A_132 {strides = array<i32>} : memref<256xi32, #tpu.memory_space<vmem>>, vector<16xi32>,
    %get3A_133 = arith.constant 128 : index
    %get3A_134 = tpu.vector_load %arg6[%get3A_133] {strides = array<i32>} : memref<256xi32, #tpu.memory_space<vmem>>, vector<16xi32>,
    %get3A_135 = vector.shape_cast %get3A_134 : vector<16xi32> to vector<16xi32>
    %jit3A_136 = arith.constant 0 : i32
    %jit3A_137 = arith.constant 99999 : i32
    %max3A_138 = vector.broadcast %jit3A_136 : i32 to vector<16xi32>
    %max3A_139 = arith.maxsi %max3A_138, %get3A_135 : vector<16xi32>
    %min3A_140 = vector.broadcast %jit3A_137 : i32 to vector<16xi32>
    %min3A_141 = arith.minsi %min3A_140, %max3A_139 : vector<16xi32>
    %swap3A_142 = arith.constant 128 : index
    %swap3A_143 = tpu.vector_load %arg7[%swap3A_142] {strides = array<i32>} : memref<256xi32, #tpu.memory_space<vmem>>, vector<16xi32>,
    %swap3A_144 = vector.shape_cast %swap3A_143 : vector<16xi32> to vector<16xi32>
    %swap3A_145 = vector.shape_cast %min3A_141 : vector<16xi32> to vector<16xi32>
    tpu.vector_store %arg7[%swap3A_142], %swap3A_145 {strides = array<i32>} : memref<256xi32, #tpu.memory_space<vmem>>, vector<16xi32>,
    %get3A_146 = arith.constant 144 : index
    %get3A_147 = tpu.vector_load %arg6[%get3A_146] {strides = array<i32>} : memref<256xi32, #tpu.memory_space<vmem>>, vector<16xi32>,
    %get3A_148 = vector.shape_cast %get3A_147 : vector<16xi32> to vector<16xi32>
    %jit3A_149 = arith.constant 0 : i32
    %jit3A_150 = arith.constant 99999 : i32
    %max3A_151 = vector.broadcast %jit3A_149 : i32 to vector<16xi32>
    %max3A_152 = arith.maxsi %max3A_151, %get3A_148 : vector<16xi32>
    %min3A_153 = vector.broadcast %jit3A_150 : i32 to vector<16xi32>
    %min3A_154 = arith.minsi %min3A_153, %max3A_152 : vector<16xi32>
    %swap3A_155 = arith.constant 144 : index
    %swap3A_156 = tpu.vector_load %arg7[%swap3A_155] {strides = array<i32>} : memref<256xi32, #tpu.memory_space<vmem>>, vector<16xi32>,
    %swap3A_157 = vector.shape_cast %swap3A_156 : vector<16xi32> to vector<16xi32>
    %swap3A_158 = vector.shape_cast %min3A_154 : vector<16xi32> to vector<16xi32>
    tpu.vector_store %arg7[%swap3A_155], %swap3A_158 {strides = array<i32>} : memref<256xi32, #tpu.memory_space<vmem>>, vector<16xi32>,
    %get3A_159 = arith.constant 160 : index
    %get3A_160 = tpu.vector_load %arg6[%get3A_159] {strides = array<i32>} : memref<256xi32, #tpu.memory_space<vmem>>, vector<16xi32>,
    %get3A_161 = vector.shape_cast %get3A_160 : vector<16xi32> to vector<16xi32>
    %jit3A_162 = arith.constant 0 : i32
    %jit3A_163 = arith.constant 99999 : i32
    %max3A_164 = vector.broadcast %jit3A_162 : i32 to vector<16xi32>
    %max3A_165 = arith.maxsi %max3A_164, %get3A_161 : vector<16xi32>
    %min3A_166 = vector.broadcast %jit3A_163 : i32 to vector<16xi32>
    %min3A_167 = arith.minsi %min3A_166, %max3A_165 : vector<16xi32>
    %swap3A_168 = arith.constant 160 : index
    %swap3A_169 = tpu.vector_load %arg7[%swap3A_168] {strides = array<i32>} : memref<256xi32, #tpu.memory_space<vmem>>, vector<16xi32>,
    %swap3A_170 = vector.shape_cast %swap3A_169 : vector<16xi32> to vector<16xi32>
    %swap3A_171 = vector.shape_cast %min3A_167 : vector<16xi32> to vector<16xi32>
    tpu.vector_store %arg7[%swap3A_168], %swap3A_171 {strides = array<i32>} : memref<256xi32, #tpu.memory_space<vmem>>, vector<16xi32>,
    %get3A_172 = arith.constant 176 : index
    %get3A_173 = tpu.vector_load %arg6[%get3A_172] {strides = array<i32>} : memref<256xi32, #tpu.memory_space<vmem>>, vector<16xi32>,
    %get3A_174 = vector.shape_cast %get3A_173 : vector<16xi32> to vector<16xi32>
    %jit3A_175 = arith.constant 0 : i32
    %jit3A_176 = arith.constant 99999 : i32
    %max3A_177 = vector.broadcast %jit3A_175 : i32 to vector<16xi32>
    %max3A_178 = arith.maxsi %max3A_177, %get3A_174 : vector<16xi32>
    %min3A_179 = vector.broadcast %jit3A_176 : i32 to vector<16xi32>
    %min3A_180 = arith.minsi %min3A_179, %max3A_178 : vector<16xi32>
    %swap3A_181 = arith.constant 176 : index
    %swap3A_182 = tpu.vector_load %arg7[%swap3A_181] {strides = array<i32>} : memref<256xi32, #tpu.memory_space<vmem>>, vector<16xi32>,
    %swap3A_183 = vector.shape_cast %swap3A_182 : vector<16xi32> to vector<16xi32>
    %swap3A_184 = vector.shape_cast %min3A_180 : vector<16xi32> to vector<16xi32>
    tpu.vector_store %arg7[%swap3A_181], %swap3A_184 {strides = array<i32>} : memref<256xi32, #tpu.memory_space<vmem>>, vector<16xi32>,
    %get3A_185 = arith.constant 192 : index
    %get3A_186 = tpu.vector_load %arg6[%get3A_185] {strides = array<i32>} : memref<256xi32, #tpu.memory_space<vmem>>, vector<16xi32>,
    %get3A_187 = vector.shape_cast %get3A_186 : vector<16xi32> to vector<16xi32>
    %jit3A_188 = arith.constant 0 : i32
    %jit3A_189 = arith.constant 99999 : i32
    %max3A_190 = vector.broadcast %jit3A_188 : i32 to vector<16xi32>
    %max3A_191 = arith.maxsi %max3A_190, %get3A_187 : vector<16xi32>
    %min3A_192 = vector.broadcast %jit3A_189 : i32 to vector<16xi32>
    %min3A_193 = arith.minsi %min3A_192, %max3A_191 : vector<16xi32>
    %swap3A_194 = arith.constant 192 : index
    %swap3A_195 = tpu.vector_load %arg7[%swap3A_194] {strides = array<i32>} : memref<256xi32, #tpu.memory_space<vmem>>, vector<16xi32>,
    %swap3A_196 = vector.shape_cast %swap3A_195 : vector<16xi32> to vector<16xi32>
    %swap3A_197 = vector.shape_cast %min3A_193 : vector<16xi32> to vector<16xi32>
    tpu.vector_store %arg7[%swap3A_194], %swap3A_197 {strides = array<i32>} : memref<256xi32, #tpu.memory_space<vmem>>, vector<16xi32>,
    %get3A_198 = arith.constant 208 : index
    %get3A_199 = tpu.vector_load %arg6[%get3A_198] {strides = array<i32>} : memref<256xi32, #tpu.memory_space<vmem>>, vector<16xi32>,
    %get3A_200 = vector.shape_cast %get3A_199 : vector<16xi32> to vector<16xi32>
    %jit3A_201 = arith.constant 0 : i32
    %jit3A_202 = arith.constant 99999 : i32
    %max3A_203 = vector.broadcast %jit3A_201 : i32 to vector<16xi32>
    %max3A_204 = arith.maxsi %max3A_203, %get3A_200 : vector<16xi32>
    %min3A_205 = vector.broadcast %jit3A_202 : i32 to vector<16xi32>
    %min3A_206 = arith.minsi %min3A_205, %max3A_204 : vector<16xi32>
    %swap3A_207 = arith.constant 208 : index
    %swap3A_208 = tpu.vector_load %arg7[%swap3A_207] {strides = array<i32>} : memref<256xi32, #tpu.memory_space<vmem>>, vector<16xi32>,
    %swap3A_209 = vector.shape_cast %swap3A_208 : vector<16xi32> to vector<16xi32>
    %swap3A_210 = vector.shape_cast %min3A_206 : vector<16xi32> to vector<16xi32>
    tpu.vector_store %arg7[%swap3A_207], %swap3A_210 {strides = array<i32>} : memref<256xi32, #tpu.memory_space<vmem>>, vector<16xi32>,
    %get3A_211 = arith.constant 224 : index
    %get3A_212 = tpu.vector_load %arg6[%get3A_211] {strides = array<i32>} : memref<256xi32, #tpu.memory_space<vmem>>, vector<16xi32>,
    %get3A_213 = vector.shape_cast %get3A_212 : vector<16xi32> to vector<16xi32>
    %jit3A_214 = arith.constant 0 : i32
    %jit3A_215 = arith.constant 99999 : i32
    %max3A_216 = vector.broadcast %jit3A_214 : i32 to vector<16xi32>
    %max3A_217 = arith.maxsi %max3A_216, %get3A_213 : vector<16xi32>
    %min3A_218 = vector.broadcast %jit3A_215 : i32 to vector<16xi32>
    %min3A_219 = arith.minsi %min3A_218, %max3A_217 : vector<16xi32>
    %swap3A_220 = arith.constant 224 : index
    %swap3A_221 = tpu.vector_load %arg7[%swap3A_220] {strides = array<i32>} : memref<256xi32, #tpu.memory_space<vmem>>, vector<16xi32>,
    %swap3A_222 = vector.shape_cast %swap3A_221 : vector<16xi32> to vector<16xi32>
    %swap3A_223 = vector.shape_cast %min3A_219 : vector<16xi32> to vector<16xi32>
    tpu.vector_store %arg7[%swap3A_220], %swap3A_223 {strides = array<i32>} : memref<256xi32, #tpu.memory_space<vmem>>, vector<16xi32>,
    %get3A_224 = arith.constant 240 : index
    %get3A_225 = tpu.vector_load %arg6[%get3A_224] {strides = array<i32>} : memref<256xi32, #tpu.memory_space<vmem>>, vector<16xi32>,
    %get3A_226 = vector.shape_cast %get3A_225 : vector<16xi32> to vector<16xi32>
    %jit3A_227 = arith.constant 0 : i32
    %jit3A_228 = arith.constant 99999 : i32
    %max3A_229 = vector.broadcast %jit3A_227 : i32 to vector<16xi32>
    %max3A_230 = arith.maxsi %max3A_229, %get3A_226 : vector<16xi32>
    %min3A_231 = vector.broadcast %jit3A_228 : i32 to vector<16xi32>
    %min3A_232 = arith.minsi %min3A_231, %max3A_230 : vector<16xi32>
    %swap3A_233 = arith.constant 240 : index
    %swap3A_234 = tpu.vector_load %arg7[%swap3A_233] {strides = array<i32>} : memref<256xi32, #tpu.memory_space<vmem>>, vector<16xi32>,
    %swap3A_235 = vector.shape_cast %swap3A_234 : vector<16xi32> to vector<16xi32>
    %swap3A_236 = vector.shape_cast %min3A_232 : vector<16xi32> to vector<16xi32>
    tpu.vector_store %arg7[%swap3A_233], %swap3A_236 {strides = array<i32>} : memref<256xi32, #tpu.memory_space<vmem>>, vector<16xi32>,
    %dma_start3A = tpu.memref_slice %arg5[%select_n3A, %mul3A_32] : memref<4x2048xi32, #tpu.memory_space<hbm>> -> memref<1x256xi32, #tpu.memory_space<hbm>>
    %dma_start3A_237 = tpu.memref_squeeze %dma_start3A : memref<1x256xi32, #tpu.memory_space<hbm>> -> memref<256xi32, #tpu.memory_space<hbm>>
    %dma_start3A_238 = tpu.memref_slice %arg5[%select_n3A, %mul3A_32] : memref<4x2048xi32, #tpu.memory_space<hbm>> -> memref<1x256xi32, #tpu.memory_space<hbm>>
    %dma_start3A_239 = tpu.memref_squeeze %dma_start3A_238 : memref<1x256xi32, #tpu.memory_space<hbm>> -> memref<256xi32, #tpu.memory_space<hbm>>
    tpu.enqueue_dma source(%arg6 : memref<256xi32, #tpu.memory_space<vmem>>) target(%dma_start3A_239 : memref<256xi32, #tpu.memory_space<hbm>>) target_semaphore(%arg18 : memref<!tpu.dma_semaphore, #tpu.memory_space<semaphore_mem>>)
    %dma_start3A_240 = arith.constant 0 : i32
    %dma_start3A_241 = arith.constant 0 : i32
    %dma_start3A_242 = arith.constant 0 : i32
    %dma_start3A_243 = tpu.memref_slice %arg8[%dma_start3A_240, %dma_start3A_241, %dma_start3A_242] : memref<3x32x1024xf32, #tpu.memory_space<vmem>> -> memref<1x16x1024xf32, #tpu.memory_space<vmem>>
    %dma_start3A_244 = tpu.memref_squeeze %dma_start3A_243 : memref<1x16x1024xf32, #tpu.memory_space<vmem>> -> memref<16x1024xf32, #tpu.memory_space<vmem>>
    %dma_start3A_245 = arith.constant 0 : i32
    %dma_start3A_246 = tpu.memref_slice %arg7[%dma_start3A_245] : memref<256xi32, #tpu.memory_space<vmem>> -> memref<16xi32, #tpu.memory_space<vmem>>
    %dma_start3A_247 = arith.constant 0 : i32
    %dma_start3A_248 = arith.constant 0 : i32
    %dma_start3A_249 = tpu.memref_slice %arg2[%dma_start3A_247, %dma_start3A_248] : memref<100000x1024xf32, #tpu.memory_space<hbm>> -> memref<100000x1024xf32, #tpu.memory_space<hbm>>
    tpu.enqueue_indirect_dma source(%dma_start3A_249 : memref<100000x1024xf32, #tpu.memory_space<hbm>>) target(%dma_start3A_244 : memref<16x1024xf32, #tpu.memory_space<vmem>>) offsets(%dma_start3A_246 : memref<16xi32, #tpu.memory_space<vmem>>) semaphore(%arg9 : memref<!tpu.dma_semaphore, #tpu.memory_space<semaphore_mem>>)
    %dma_start3A_250 = arith.constant 0 : i32
    %dma_start3A_251 = arith.constant 16 : i32
    %dma_start3A_252 = arith.constant 0 : i32
    %dma_start3A_253 = tpu.memref_slice %arg8[%dma_start3A_250, %dma_start3A_251, %dma_start3A_252] : memref<3x32x1024xf32, #tpu.memory_space<vmem>> -> memref<1x16x1024xf32, #tpu.memory_space<vmem>>
    %dma_start3A_254 = tpu.memref_squeeze %dma_start3A_253 : memref<1x16x1024xf32, #tpu.memory_space<vmem>> -> memref<16x1024xf32, #tpu.memory_space<vmem>>
    %dma_start3A_255 = arith.constant 16 : i32
    %dma_start3A_256 = tpu.memref_slice %arg7[%dma_start3A_255] : memref<256xi32, #tpu.memory_space<vmem>> -> memref<16xi32, #tpu.memory_space<vmem>>
    %dma_start3A_257 = arith.constant 0 : i32
    %dma_start3A_258 = arith.constant 0 : i32
    %dma_start3A_259 = tpu.memref_slice %arg2[%dma_start3A_257, %dma_start3A_258] : memref<100000x1024xf32, #tpu.memory_space<hbm>> -> memref<100000x1024xf32, #tpu.memory_space<hbm>>
    tpu.enqueue_indirect_dma source(%dma_start3A_259 : memref<100000x1024xf32, #tpu.memory_space<hbm>>) target(%dma_start3A_254 : memref<16x1024xf32, #tpu.memory_space<vmem>>) offsets(%dma_start3A_256 : memref<16xi32, #tpu.memory_space<vmem>>) semaphore(%arg10 : memref<!tpu.dma_semaphore, #tpu.memory_space<semaphore_mem>>)
    %dma_start3A_260 = arith.constant 1 : i32
    %dma_start3A_261 = arith.constant 0 : i32
    %dma_start3A_262 = arith.constant 0 : i32
    %dma_start3A_263 = tpu.memref_slice %arg8[%dma_start3A_260, %dma_start3A_261, %dma_start3A_262] : memref<3x32x1024xf32, #tpu.memory_space<vmem>> -> memref<1x16x1024xf32, #tpu.memory_space<vmem>>
    %dma_start3A_264 = tpu.memref_squeeze %dma_start3A_263 : memref<1x16x1024xf32, #tpu.memory_space<vmem>> -> memref<16x1024xf32, #tpu.memory_space<vmem>>
    %dma_start3A_265 = arith.constant 32 : i32
    %dma_start3A_266 = tpu.memref_slice %arg7[%dma_start3A_265] : memref<256xi32, #tpu.memory_space<vmem>> -> memref<16xi32, #tpu.memory_space<vmem>>
    %dma_start3A_267 = arith.constant 0 : i32
    %dma_start3A_268 = arith.constant 0 : i32
    %dma_start3A_269 = tpu.memref_slice %arg2[%dma_start3A_267, %dma_start3A_268] : memref<100000x1024xf32, #tpu.memory_space<hbm>> -> memref<100000x1024xf32, #tpu.memory_space<hbm>>
    tpu.enqueue_indirect_dma source(%dma_start3A_269 : memref<100000x1024xf32, #tpu.memory_space<hbm>>) target(%dma_start3A_264 : memref<16x1024xf32, #tpu.memory_space<vmem>>) offsets(%dma_start3A_266 : memref<16xi32, #tpu.memory_space<vmem>>) semaphore(%arg11 : memref<!tpu.dma_semaphore, #tpu.memory_space<semaphore_mem>>)
    %dma_start3A_270 = arith.constant 1 : i32
    %dma_start3A_271 = arith.constant 16 : i32
    %dma_start3A_272 = arith.constant 0 : i32
    %dma_start3A_273 = tpu.memref_slice %arg8[%dma_start3A_270, %dma_start3A_271, %dma_start3A_272] : memref<3x32x1024xf32, #tpu.memory_space<vmem>> -> memref<1x16x1024xf32, #tpu.memory_space<vmem>>
    %dma_start3A_274 = tpu.memref_squeeze %dma_start3A_273 : memref<1x16x1024xf32, #tpu.memory_space<vmem>> -> memref<16x1024xf32, #tpu.memory_space<vmem>>
    %dma_start3A_275 = arith.constant 48 : i32
    %dma_start3A_276 = tpu.memref_slice %arg7[%dma_start3A_275] : memref<256xi32, #tpu.memory_space<vmem>> -> memref<16xi32, #tpu.memory_space<vmem>>
    %dma_start3A_277 = arith.constant 0 : i32
    %dma_start3A_278 = arith.constant 0 : i32
    %dma_start3A_279 = tpu.memref_slice %arg2[%dma_start3A_277, %dma_start3A_278] : memref<100000x1024xf32, #tpu.memory_space<hbm>> -> memref<100000x1024xf32, #tpu.memory_space<hbm>>
    tpu.enqueue_indirect_dma source(%dma_start3A_279 : memref<100000x1024xf32, #tpu.memory_space<hbm>>) target(%dma_start3A_274 : memref<16x1024xf32, #tpu.memory_space<vmem>>) offsets(%dma_start3A_276 : memref<16xi32, #tpu.memory_space<vmem>>) semaphore(%arg12 : memref<!tpu.dma_semaphore, #tpu.memory_space<semaphore_mem>>)
    %dma_start3A_280 = arith.constant 2 : i32
    %dma_start3A_281 = arith.constant 0 : i32
    %dma_start3A_282 = arith.constant 0 : i32
    %dma_start3A_283 = tpu.memref_slice %arg8[%dma_start3A_280, %dma_start3A_281, %dma_start3A_282] : memref<3x32x1024xf32, #tpu.memory_space<vmem>> -> memref<1x16x1024xf32, #tpu.memory_space<vmem>>
    %dma_start3A_284 = tpu.memref_squeeze %dma_start3A_283 : memref<1x16x1024xf32, #tpu.memory_space<vmem>> -> memref<16x1024xf32, #tpu.memory_space<vmem>>
    %dma_start3A_285 = arith.constant 64 : i32
    %dma_start3A_286 = tpu.memref_slice %arg7[%dma_start3A_285] : memref<256xi32, #tpu.memory_space<vmem>> -> memref<16xi32, #tpu.memory_space<vmem>>
    %dma_start3A_287 = arith.constant 0 : i32
    %dma_start3A_288 = arith.constant 0 : i32
    %dma_start3A_289 = tpu.memref_slice %arg2[%dma_start3A_287, %dma_start3A_288] : memref<100000x1024xf32, #tpu.memory_space<hbm>> -> memref<100000x1024xf32, #tpu.memory_space<hbm>>
    tpu.enqueue_indirect_dma source(%dma_start3A_289 : memref<100000x1024xf32, #tpu.memory_space<hbm>>) target(%dma_start3A_284 : memref<16x1024xf32, #tpu.memory_space<vmem>>) offsets(%dma_start3A_286 : memref<16xi32, #tpu.memory_space<vmem>>) semaphore(%arg13 : memref<!tpu.dma_semaphore, #tpu.memory_space<semaphore_mem>>)
    %dma_wait3A = arith.constant 0 : i32
    %dma_wait3A_290 = arith.constant 0 : i32
    %dma_wait3A_291 = arith.constant 0 : i32
    %dma_wait3A_292 = tpu.memref_slice %arg8[%dma_wait3A, %dma_wait3A_290, %dma_wait3A_291] : memref<3x32x1024xf32, #tpu.memory_space<vmem>> -> memref<1x16x1024xf32, #tpu.memory_space<vmem>>
    %dma_wait3A_293 = tpu.memref_squeeze %dma_wait3A_292 : memref<1x16x1024xf32, #tpu.memory_space<vmem>> -> memref<16x1024xf32, #tpu.memory_space<vmem>>
    %dma_wait3A_294 = arith.constant 0 : i32
    %dma_wait3A_295 = tpu.memref_slice %arg7[%dma_wait3A_294] : memref<256xi32, #tpu.memory_space<vmem>> -> memref<16xi32, #tpu.memory_space<vmem>>
    %dma_wait3A_296 = arith.constant 0 : i32
    %dma_wait3A_297 = arith.constant 0 : i32
    %dma_wait3A_298 = tpu.memref_slice %arg2[%dma_wait3A_296, %dma_wait3A_297] : memref<100000x1024xf32, #tpu.memory_space<hbm>> -> memref<100000x1024xf32, #tpu.memory_space<hbm>>
    tpu.wait_indirect_dma semaphore(%arg9 : memref<!tpu.dma_semaphore, #tpu.memory_space<semaphore_mem>>) src(%dma_wait3A_298 : memref<100000x1024xf32, #tpu.memory_space<hbm>>) dst(%dma_wait3A_293 : memref<16x1024xf32, #tpu.memory_space<vmem>>)
    %dma_start3A_299 = arith.constant 2 : i32
    %dma_start3A_300 = arith.constant 16 : i32
    %dma_start3A_301 = arith.constant 0 : i32
    %dma_start3A_302 = tpu.memref_slice %arg8[%dma_start3A_299, %dma_start3A_300, %dma_start3A_301] : memref<3x32x1024xf32, #tpu.memory_space<vmem>> -> memref<1x16x1024xf32, #tpu.memory_space<vmem>>
    %dma_start3A_303 = tpu.memref_squeeze %dma_start3A_302 : memref<1x16x1024xf32, #tpu.memory_space<vmem>> -> memref<16x1024xf32, #tpu.memory_space<vmem>>
    %dma_start3A_304 = arith.constant 80 : i32
    %dma_start3A_305 = tpu.memref_slice %arg7[%dma_start3A_304] : memref<256xi32, #tpu.memory_space<vmem>> -> memref<16xi32, #tpu.memory_space<vmem>>
    %dma_start3A_306 = arith.constant 0 : i32
    %dma_start3A_307 = arith.constant 0 : i32
    %dma_start3A_308 = tpu.memref_slice %arg2[%dma_start3A_306, %dma_start3A_307] : memref<100000x1024xf32, #tpu.memory_space<hbm>> -> memref<100000x1024xf32, #tpu.memory_space<hbm>>
    tpu.enqueue_indirect_dma source(%dma_start3A_308 : memref<100000x1024xf32, #tpu.memory_space<hbm>>) target(%dma_start3A_303 : memref<16x1024xf32, #tpu.memory_space<vmem>>) offsets(%dma_start3A_305 : memref<16xi32, #tpu.memory_space<vmem>>) semaphore(%arg14 : memref<!tpu.dma_semaphore, #tpu.memory_space<semaphore_mem>>)
    %dma_wait3A_309 = arith.constant 0 : i32
    %dma_wait3A_310 = arith.constant 16 : i32
    %dma_wait3A_311 = arith.constant 0 : i32
    %dma_wait3A_312 = tpu.memref_slice %arg8[%dma_wait3A_309, %dma_wait3A_310, %dma_wait3A_311] : memref<3x32x1024xf32, #tpu.memory_space<vmem>> -> memref<1x16x1024xf32, #tpu.memory_space<vmem>>
    %dma_wait3A_313 = tpu.memref_squeeze %dma_wait3A_312 : memref<1x16x1024xf32, #tpu.memory_space<vmem>> -> memref<16x1024xf32, #tpu.memory_space<vmem>>
    %dma_wait3A_314 = arith.constant 16 : i32
    %dma_wait3A_315 = tpu.memref_slice %arg7[%dma_wait3A_314] : memref<256xi32, #tpu.memory_space<vmem>> -> memref<16xi32, #tpu.memory_space<vmem>>
    %dma_wait3A_316 = arith.constant 0 : i32
    %dma_wait3A_317 = arith.constant 0 : i32
    %dma_wait3A_318 = tpu.memref_slice %arg2[%dma_wait3A_316, %dma_wait3A_317] : memref<100000x1024xf32, #tpu.memory_space<hbm>> -> memref<100000x1024xf32, #tpu.memory_space<hbm>>
    tpu.wait_indirect_dma semaphore(%arg10 : memref<!tpu.dma_semaphore, #tpu.memory_space<semaphore_mem>>) src(%dma_wait3A_318 : memref<100000x1024xf32, #tpu.memory_space<hbm>>) dst(%dma_wait3A_313 : memref<16x1024xf32, #tpu.memory_space<vmem>>)
    %add3A_319 = arith.constant 0 : i32
    %add3A_320 = arith.addi %mul3A_32, %add3A_319 : i32
    %dma_start3A_321 = arith.constant 0 : i32
    %dma_start3A_322 = arith.constant 0 : i32
    %dma_start3A_323 = arith.constant 0 : i32
    %dma_start3A_324 = tpu.memref_slice %arg8[%dma_start3A_321, %dma_start3A_322, %dma_start3A_323] : memref<3x32x1024xf32, #tpu.memory_space<vmem>> -> memref<1x32x1024xf32, #tpu.memory_space<vmem>>
    %dma_start3A_325 = tpu.memref_squeeze %dma_start3A_324 : memref<1x32x1024xf32, #tpu.memory_space<vmem>> -> memref<32x1024xf32, #tpu.memory_space<vmem>>
    %dma_start3A_326 = arith.constant 0 : i32
    %dma_start3A_327 = tpu.memref_slice %arg4[%select_n3A, %add3A_320, %dma_start3A_326] : memref<4x2048x1024xf32, #tpu.memory_space<hbm>> -> memref<1x32x1024xf32, #tpu.memory_space<hbm>>
    %dma_start3A_328 = tpu.memref_squeeze %dma_start3A_327 : memref<1x32x1024xf32, #tpu.memory_space<hbm>> -> memref<32x1024xf32, #tpu.memory_space<hbm>>
    %dma_start3A_329 = arith.constant 0 : i32
    %dma_start3A_330 = tpu.memref_slice %arg4[%select_n3A, %add3A_320, %dma_start3A_329] : memref<4x2048x1024xf32, #tpu.memory_space<hbm>> -> memref<1x32x1024xf32, #tpu.memory_space<hbm>>
    %dma_start3A_331 = tpu.memref_squeeze %dma_start3A_330 : memref<1x32x1024xf32, #tpu.memory_space<hbm>> -> memref<32x1024xf32, #tpu.memory_space<hbm>>
    %dma_start3A_332 = arith.constant 0 : i32
    %dma_start3A_333 = arith.constant 0 : i32
    %dma_start3A_334 = tpu.memref_slice %arg8[%dma_start3A_321, %dma_start3A_332, %dma_start3A_333] : memref<3x32x1024xf32, #tpu.memory_space<vmem>> -> memref<1x32x1024xf32, #tpu.memory_space<vmem>>
    %dma_start3A_335 = tpu.memref_squeeze %dma_start3A_334 : memref<1x32x1024xf32, #tpu.memory_space<vmem>> -> memref<32x1024xf32, #tpu.memory_space<vmem>>
    tpu.enqueue_dma source(%dma_start3A_335 : memref<32x1024xf32, #tpu.memory_space<vmem>>) target(%dma_start3A_331 : memref<32x1024xf32, #tpu.memory_space<hbm>>) target_semaphore(%arg15 : memref<!tpu.dma_semaphore, #tpu.memory_space<semaphore_mem>>)
    %dma_wait3A_336 = arith.constant 0 : i32
    %dma_wait3A_337 = arith.constant 0 : i32
    %dma_wait3A_338 = arith.constant 0 : i32
    %dma_wait3A_339 = tpu.memref_slice %arg8[%dma_wait3A_336, %dma_wait3A_337, %dma_wait3A_338] : memref<3x32x1024xf32, #tpu.memory_space<vmem>> -> memref<1x32x1024xf32, #tpu.memory_space<vmem>>
    %dma_wait3A_340 = tpu.memref_squeeze %dma_wait3A_339 : memref<1x32x1024xf32, #tpu.memory_space<vmem>> -> memref<32x1024xf32, #tpu.memory_space<vmem>>
    %dma_wait3A_341 = arith.constant 0 : i32
    %dma_wait3A_342 = tpu.memref_slice %arg4[%select_n3A, %add3A_320, %dma_wait3A_341] : memref<4x2048x1024xf32, #tpu.memory_space<hbm>> -> memref<1x32x1024xf32, #tpu.memory_space<hbm>>
    %dma_wait3A_343 = tpu.memref_squeeze %dma_wait3A_342 : memref<1x32x1024xf32, #tpu.memory_space<hbm>> -> memref<32x1024xf32, #tpu.memory_space<hbm>>
    %dma_wait3A_344 = arith.constant 0 : i32
    %dma_wait3A_345 = tpu.memref_slice %arg4[%select_n3A, %add3A_320, %dma_wait3A_344] : memref<4x2048x1024xf32, #tpu.memory_space<hbm>> -> memref<1x32x1024xf32, #tpu.memory_space<hbm>>
    %dma_wait3A_346 = tpu.memref_squeeze %dma_wait3A_345 : memref<1x32x1024xf32, #tpu.memory_space<hbm>> -> memref<32x1024xf32, #tpu.memory_space<hbm>>
    %dma_wait3A_347 = arith.constant 0 : i32
    %dma_wait3A_348 = arith.constant 0 : i32
    %dma_wait3A_349 = tpu.memref_slice %arg8[%dma_wait3A_336, %dma_wait3A_347, %dma_wait3A_348] : memref<3x32x1024xf32, #tpu.memory_space<vmem>> -> memref<1x32x1024xf32, #tpu.memory_space<vmem>>
    %dma_wait3A_350 = tpu.memref_squeeze %dma_wait3A_349 : memref<1x32x1024xf32, #tpu.memory_space<vmem>> -> memref<32x1024xf32, #tpu.memory_space<vmem>>
    tpu.wait_dma2 semaphore(%arg15 : memref<!tpu.dma_semaphore, #tpu.memory_space<semaphore_mem>>) src(%dma_wait3A_350 : memref<32x1024xf32, #tpu.memory_space<vmem>>) dst(%dma_wait3A_346 : memref<32x1024xf32, #tpu.memory_space<hbm>>)
    %dma_start3A_351 = arith.constant 0 : i32
    %dma_start3A_352 = arith.constant 0 : i32
    %dma_start3A_353 = arith.constant 0 : i32
    %dma_start3A_354 = tpu.memref_slice %arg8[%dma_start3A_351, %dma_start3A_352, %dma_start3A_353] : memref<3x32x1024xf32, #tpu.memory_space<vmem>> -> memref<1x16x1024xf32, #tpu.memory_space<vmem>>
    %dma_start3A_355 = tpu.memref_squeeze %dma_start3A_354 : memref<1x16x1024xf32, #tpu.memory_space<vmem>> -> memref<16x1024xf32, #tpu.memory_space<vmem>>
    %dma_start3A_356 = arith.constant 96 : i32
    %dma_start3A_357 = tpu.memref_slice %arg7[%dma_start3A_356] : memref<256xi32, #tpu.memory_space<vmem>> -> memref<16xi32, #tpu.memory_space<vmem>>
    %dma_start3A_358 = arith.constant 0 : i32
    %dma_start3A_359 = arith.constant 0 : i32
    %dma_start3A_360 = tpu.memref_slice %arg2[%dma_start3A_358, %dma_start3A_359] : memref<100000x1024xf32, #tpu.memory_space<hbm>> -> memref<100000x1024xf32, #tpu.memory_space<hbm>>
    tpu.enqueue_indirect_dma source(%dma_start3A_360 : memref<100000x1024xf32, #tpu.memory_space<hbm>>) target(%dma_start3A_355 : memref<16x1024xf32, #tpu.memory_space<vmem>>) offsets(%dma_start3A_357 : memref<16xi32, #tpu.memory_space<vmem>>) semaphore(%arg9 : memref<!tpu.dma_semaphore, #tpu.memory_space<semaphore_mem>>)
    %dma_wait3A_361 = arith.constant 1 : i32
    %dma_wait3A_362 = arith.constant 0 : i32
    %dma_wait3A_363 = arith.constant 0 : i32
    %dma_wait3A_364 = tpu.memref_slice %arg8[%dma_wait3A_361, %dma_wait3A_362, %dma_wait3A_363] : memref<3x32x1024xf32, #tpu.memory_space<vmem>> -> memref<1x16x1024xf32, #tpu.memory_space<vmem>>
    %dma_wait3A_365 = tpu.memref_squeeze %dma_wait3A_364 : memref<1x16x1024xf32, #tpu.memory_space<vmem>> -> memref<16x1024xf32, #tpu.memory_space<vmem>>
    %dma_wait3A_366 = arith.constant 32 : i32
    %dma_wait3A_367 = tpu.memref_slice %arg7[%dma_wait3A_366] : memref<256xi32, #tpu.memory_space<vmem>> -> memref<16xi32, #tpu.memory_space<vmem>>
    %dma_wait3A_368 = arith.constant 0 : i32
    %dma_wait3A_369 = arith.constant 0 : i32
    %dma_wait3A_370 = tpu.memref_slice %arg2[%dma_wait3A_368, %dma_wait3A_369] : memref<100000x1024xf32, #tpu.memory_space<hbm>> -> memref<100000x1024xf32, #tpu.memory_space<hbm>>
    tpu.wait_indirect_dma semaphore(%arg11 : memref<!tpu.dma_semaphore, #tpu.memory_space<semaphore_mem>>) src(%dma_wait3A_370 : memref<100000x1024xf32, #tpu.memory_space<hbm>>) dst(%dma_wait3A_365 : memref<16x1024xf32, #tpu.memory_space<vmem>>)
    %dma_start3A_371 = arith.constant 0 : i32
    %dma_start3A_372 = arith.constant 16 : i32
    %dma_start3A_373 = arith.constant 0 : i32
    %dma_start3A_374 = tpu.memref_slice %arg8[%dma_start3A_371, %dma_start3A_372, %dma_start3A_373] : memref<3x32x1024xf32, #tpu.memory_space<vmem>> -> memref<1x16x1024xf32, #tpu.memory_space<vmem>>
    %dma_start3A_375 = tpu.memref_squeeze %dma_start3A_374 : memref<1x16x1024xf32, #tpu.memory_space<vmem>> -> memref<16x1024xf32, #tpu.memory_space<vmem>>
    %dma_start3A_376 = arith.constant 112 : i32
    %dma_start3A_377 = tpu.memref_slice %arg7[%dma_start3A_376] : memref<256xi32, #tpu.memory_space<vmem>> -> memref<16xi32, #tpu.memory_space<vmem>>
    %dma_start3A_378 = arith.constant 0 : i32
    %dma_start3A_379 = arith.constant 0 : i32
    %dma_start3A_380 = tpu.memref_slice %arg2[%dma_start3A_378, %dma_start3A_379] : memref<100000x1024xf32, #tpu.memory_space<hbm>> -> memref<100000x1024xf32, #tpu.memory_space<hbm>>
    tpu.enqueue_indirect_dma source(%dma_start3A_380 : memref<100000x1024xf32, #tpu.memory_space<hbm>>) target(%dma_start3A_375 : memref<16x1024xf32, #tpu.memory_space<vmem>>) offsets(%dma_start3A_377 : memref<16xi32, #tpu.memory_space<vmem>>) semaphore(%arg10 : memref<!tpu.dma_semaphore, #tpu.memory_space<semaphore_mem>>)
    %dma_wait3A_381 = arith.constant 1 : i32
    %dma_wait3A_382 = arith.constant 16 : i32
    %dma_wait3A_383 = arith.constant 0 : i32
    %dma_wait3A_384 = tpu.memref_slice %arg8[%dma_wait3A_381, %dma_wait3A_382, %dma_wait3A_383] : memref<3x32x1024xf32, #tpu.memory_space<vmem>> -> memref<1x16x1024xf32, #tpu.memory_space<vmem>>
    %dma_wait3A_385 = tpu.memref_squeeze %dma_wait3A_384 : memref<1x16x1024xf32, #tpu.memory_space<vmem>> -> memref<16x1024xf32, #tpu.memory_space<vmem>>
    %dma_wait3A_386 = arith.constant 48 : i32
    %dma_wait3A_387 = tpu.memref_slice %arg7[%dma_wait3A_386] : memref<256xi32, #tpu.memory_space<vmem>> -> memref<16xi32, #tpu.memory_space<vmem>>
    %dma_wait3A_388 = arith.constant 0 : i32
    %dma_wait3A_389 = arith.constant 0 : i32
    %dma_wait3A_390 = tpu.memref_slice %arg2[%dma_wait3A_388, %dma_wait3A_389] : memref<100000x1024xf32, #tpu.memory_space<hbm>> -> memref<100000x1024xf32, #tpu.memory_space<hbm>>
    tpu.wait_indirect_dma semaphore(%arg12 : memref<!tpu.dma_semaphore, #tpu.memory_space<semaphore_mem>>) src(%dma_wait3A_390 : memref<100000x1024xf32, #tpu.memory_space<hbm>>) dst(%dma_wait3A_385 : memref<16x1024xf32, #tpu.memory_space<vmem>>)
    %add3A_391 = arith.constant 32 : i32
    %add3A_392 = arith.addi %mul3A_32, %add3A_391 : i32
    %dma_start3A_393 = arith.constant 1 : i32
    %dma_start3A_394 = arith.constant 0 : i32
    %dma_start3A_395 = arith.constant 0 : i32
    %dma_start3A_396 = tpu.memref_slice %arg8[%dma_start3A_393, %dma_start3A_394, %dma_start3A_395] : memref<3x32x1024xf32, #tpu.memory_space<vmem>> -> memref<1x32x1024xf32, #tpu.memory_space<vmem>>
    %dma_start3A_397 = tpu.memref_squeeze %dma_start3A_396 : memref<1x32x1024xf32, #tpu.memory_space<vmem>> -> memref<32x1024xf32, #tpu.memory_space<vmem>>
    %dma_start3A_398 = arith.constant 0 : i32
    %dma_start3A_399 = tpu.memref_slice %arg4[%select_n3A, %add3A_392, %dma_start3A_398] : memref<4x2048x1024xf32, #tpu.memory_space<hbm>> -> memref<1x32x1024xf32, #tpu.memory_space<hbm>>
    %dma_start3A_400 = tpu.memref_squeeze %dma_start3A_399 : memref<1x32x1024xf32, #tpu.memory_space<hbm>> -> memref<32x1024xf32, #tpu.memory_space<hbm>>
    %dma_start3A_401 = arith.constant 0 : i32
    %dma_start3A_402 = tpu.memref_slice %arg4[%select_n3A, %add3A_392, %dma_start3A_401] : memref<4x2048x1024xf32, #tpu.memory_space<hbm>> -> memref<1x32x1024xf32, #tpu.memory_space<hbm>>
    %dma_start3A_403 = tpu.memref_squeeze %dma_start3A_402 : memref<1x32x1024xf32, #tpu.memory_space<hbm>> -> memref<32x1024xf32, #tpu.memory_space<hbm>>
    %dma_start3A_404 = arith.constant 0 : i32
    %dma_start3A_405 = arith.constant 0 : i32
    %dma_start3A_406 = tpu.memref_slice %arg8[%dma_start3A_393, %dma_start3A_404, %dma_start3A_405] : memref<3x32x1024xf32, #tpu.memory_space<vmem>> -> memref<1x32x1024xf32, #tpu.memory_space<vmem>>
    %dma_start3A_407 = tpu.memref_squeeze %dma_start3A_406 : memref<1x32x1024xf32, #tpu.memory_space<vmem>> -> memref<32x1024xf32, #tpu.memory_space<vmem>>
    tpu.enqueue_dma source(%dma_start3A_407 : memref<32x1024xf32, #tpu.memory_space<vmem>>) target(%dma_start3A_403 : memref<32x1024xf32, #tpu.memory_space<hbm>>) target_semaphore(%arg16 : memref<!tpu.dma_semaphore, #tpu.memory_space<semaphore_mem>>)
    %dma_wait3A_408 = arith.constant 1 : i32
    %dma_wait3A_409 = arith.constant 0 : i32
    %dma_wait3A_410 = arith.constant 0 : i32
    %dma_wait3A_411 = tpu.memref_slice %arg8[%dma_wait3A_408, %dma_wait3A_409, %dma_wait3A_410] : memref<3x32x1024xf32, #tpu.memory_space<vmem>> -> memref<1x32x1024xf32, #tpu.memory_space<vmem>>
    %dma_wait3A_412 = tpu.memref_squeeze %dma_wait3A_411 : memref<1x32x1024xf32, #tpu.memory_space<vmem>> -> memref<32x1024xf32, #tpu.memory_space<vmem>>
    %dma_wait3A_413 = arith.constant 0 : i32
    %dma_wait3A_414 = tpu.memref_slice %arg4[%select_n3A, %add3A_392, %dma_wait3A_413] : memref<4x2048x1024xf32, #tpu.memory_space<hbm>> -> memref<1x32x1024xf32, #tpu.memory_space<hbm>>
    %dma_wait3A_415 = tpu.memref_squeeze %dma_wait3A_414 : memref<1x32x1024xf32, #tpu.memory_space<hbm>> -> memref<32x1024xf32, #tpu.memory_space<hbm>>
    %dma_wait3A_416 = arith.constant 0 : i32
    %dma_wait3A_417 = tpu.memref_slice %arg4[%select_n3A, %add3A_392, %dma_wait3A_416] : memref<4x2048x1024xf32, #tpu.memory_space<hbm>> -> memref<1x32x1024xf32, #tpu.memory_space<hbm>>
    %dma_wait3A_418 = tpu.memref_squeeze %dma_wait3A_417 : memref<1x32x1024xf32, #tpu.memory_space<hbm>> -> memref<32x1024xf32, #tpu.memory_space<hbm>>
    %dma_wait3A_419 = arith.constant 0 : i32
    %dma_wait3A_420 = arith.constant 0 : i32
    %dma_wait3A_421 = tpu.memref_slice %arg8[%dma_wait3A_408, %dma_wait3A_419, %dma_wait3A_420] : memref<3x32x1024xf32, #tpu.memory_space<vmem>> -> memref<1x32x1024xf32, #tpu.memory_space<vmem>>
    %dma_wait3A_422 = tpu.memref_squeeze %dma_wait3A_421 : memref<1x32x1024xf32, #tpu.memory_space<vmem>> -> memref<32x1024xf32, #tpu.memory_space<vmem>>
    tpu.wait_dma2 semaphore(%arg16 : memref<!tpu.dma_semaphore, #tpu.memory_space<semaphore_mem>>) src(%dma_wait3A_422 : memref<32x1024xf32, #tpu.memory_space<vmem>>) dst(%dma_wait3A_418 : memref<32x1024xf32, #tpu.memory_space<hbm>>)
    %dma_start3A_423 = arith.constant 1 : i32
    %dma_start3A_424 = arith.constant 0 : i32
    %dma_start3A_425 = arith.constant 0 : i32
    %dma_start3A_426 = tpu.memref_slice %arg8[%dma_start3A_423, %dma_start3A_424, %dma_start3A_425] : memref<3x32x1024xf32, #tpu.memory_space<vmem>> -> memref<1x16x1024xf32, #tpu.memory_space<vmem>>
    %dma_start3A_427 = tpu.memref_squeeze %dma_start3A_426 : memref<1x16x1024xf32, #tpu.memory_space<vmem>> -> memref<16x1024xf32, #tpu.memory_space<vmem>>
    %dma_start3A_428 = arith.constant 128 : i32
    %dma_start3A_429 = tpu.memref_slice %arg7[%dma_start3A_428] : memref<256xi32, #tpu.memory_space<vmem>> -> memref<16xi32, #tpu.memory_space<vmem>>
    %dma_start3A_430 = arith.constant 0 : i32
    %dma_start3A_431 = arith.constant 0 : i32
    %dma_start3A_432 = tpu.memref_slice %arg2[%dma_start3A_430, %dma_start3A_431] : memref<100000x1024xf32, #tpu.memory_space<hbm>> -> memref<100000x1024xf32, #tpu.memory_space<hbm>>
    tpu.enqueue_indirect_dma source(%dma_start3A_432 : memref<100000x1024xf32, #tpu.memory_space<hbm>>) target(%dma_start3A_427 : memref<16x1024xf32, #tpu.memory_space<vmem>>) offsets(%dma_start3A_429 : memref<16xi32, #tpu.memory_space<vmem>>) semaphore(%arg11 : memref<!tpu.dma_semaphore, #tpu.memory_space<semaphore_mem>>)
    %dma_wait3A_433 = arith.constant 2 : i32
    %dma_wait3A_434 = arith.constant 0 : i32
    %dma_wait3A_435 = arith.constant 0 : i32
    %dma_wait3A_436 = tpu.memref_slice %arg8[%dma_wait3A_433, %dma_wait3A_434, %dma_wait3A_435] : memref<3x32x1024xf32, #tpu.memory_space<vmem>> -> memref<1x16x1024xf32, #tpu.memory_space<vmem>>
    %dma_wait3A_437 = tpu.memref_squeeze %dma_wait3A_436 : memref<1x16x1024xf32, #tpu.memory_space<vmem>> -> memref<16x1024xf32, #tpu.memory_space<vmem>>
    %dma_wait3A_438 = arith.constant 64 : i32
    %dma_wait3A_439 = tpu.memref_slice %arg7[%dma_wait3A_438] : memref<256xi32, #tpu.memory_space<vmem>> -> memref<16xi32, #tpu.memory_space<vmem>>
    %dma_wait3A_440 = arith.constant 0 : i32
    %dma_wait3A_441 = arith.constant 0 : i32
    %dma_wait3A_442 = tpu.memref_slice %arg2[%dma_wait3A_440, %dma_wait3A_441] : memref<100000x1024xf32, #tpu.memory_space<hbm>> -> memref<100000x1024xf32, #tpu.memory_space<hbm>>
    tpu.wait_indirect_dma semaphore(%arg13 : memref<!tpu.dma_semaphore, #tpu.memory_space<semaphore_mem>>) src(%dma_wait3A_442 : memref<100000x1024xf32, #tpu.memory_space<hbm>>) dst(%dma_wait3A_437 : memref<16x1024xf32, #tpu.memory_space<vmem>>)
    %dma_start3A_443 = arith.constant 1 : i32
    %dma_start3A_444 = arith.constant 16 : i32
    %dma_start3A_445 = arith.constant 0 : i32
    %dma_start3A_446 = tpu.memref_slice %arg8[%dma_start3A_443, %dma_start3A_444, %dma_start3A_445] : memref<3x32x1024xf32, #tpu.memory_space<vmem>> -> memref<1x16x1024xf32, #tpu.memory_space<vmem>>
    %dma_start3A_447 = tpu.memref_squeeze %dma_start3A_446 : memref<1x16x1024xf32, #tpu.memory_space<vmem>> -> memref<16x1024xf32, #tpu.memory_space<vmem>>
    %dma_start3A_448 = arith.constant 144 : i32
    %dma_start3A_449 = tpu.memref_slice %arg7[%dma_start3A_448] : memref<256xi32, #tpu.memory_space<vmem>> -> memref<16xi32, #tpu.memory_space<vmem>>
    %dma_start3A_450 = arith.constant 0 : i32
    %dma_start3A_451 = arith.constant 0 : i32
    %dma_start3A_452 = tpu.memref_slice %arg2[%dma_start3A_450, %dma_start3A_451] : memref<100000x1024xf32, #tpu.memory_space<hbm>> -> memref<100000x1024xf32, #tpu.memory_space<hbm>>
    tpu.enqueue_indirect_dma source(%dma_start3A_452 : memref<100000x1024xf32, #tpu.memory_space<hbm>>) target(%dma_start3A_447 : memref<16x1024xf32, #tpu.memory_space<vmem>>) offsets(%dma_start3A_449 : memref<16xi32, #tpu.memory_space<vmem>>) semaphore(%arg12 : memref<!tpu.dma_semaphore, #tpu.memory_space<semaphore_mem>>)
    %dma_wait3A_453 = arith.constant 2 : i32
    %dma_wait3A_454 = arith.constant 16 : i32
    %dma_wait3A_455 = arith.constant 0 : i32
    %dma_wait3A_456 = tpu.memref_slice %arg8[%dma_wait3A_453, %dma_wait3A_454, %dma_wait3A_455] : memref<3x32x1024xf32, #tpu.memory_space<vmem>> -> memref<1x16x1024xf32, #tpu.memory_space<vmem>>
    %dma_wait3A_457 = tpu.memref_squeeze %dma_wait3A_456 : memref<1x16x1024xf32, #tpu.memory_space<vmem>> -> memref<16x1024xf32, #tpu.memory_space<vmem>>
    %dma_wait3A_458 = arith.constant 80 : i32
    %dma_wait3A_459 = tpu.memref_slice %arg7[%dma_wait3A_458] : memref<256xi32, #tpu.memory_space<vmem>> -> memref<16xi32, #tpu.memory_space<vmem>>
    %dma_wait3A_460 = arith.constant 0 : i32
    %dma_wait3A_461 = arith.constant 0 : i32
    %dma_wait3A_462 = tpu.memref_slice %arg2[%dma_wait3A_460, %dma_wait3A_461] : memref<100000x1024xf32, #tpu.memory_space<hbm>> -> memref<100000x1024xf32, #tpu.memory_space<hbm>>
    tpu.wait_indirect_dma semaphore(%arg14 : memref<!tpu.dma_semaphore, #tpu.memory_space<semaphore_mem>>) src(%dma_wait3A_462 : memref<100000x1024xf32, #tpu.memory_space<hbm>>) dst(%dma_wait3A_457 : memref<16x1024xf32, #tpu.memory_space<vmem>>)
    %add3A_463 = arith.constant 64 : i32
    %add3A_464 = arith.addi %mul3A_32, %add3A_463 : i32
    %dma_start3A_465 = arith.constant 2 : i32
    %dma_start3A_466 = arith.constant 0 : i32
    %dma_start3A_467 = arith.constant 0 : i32
    %dma_start3A_468 = tpu.memref_slice %arg8[%dma_start3A_465, %dma_start3A_466, %dma_start3A_467] : memref<3x32x1024xf32, #tpu.memory_space<vmem>> -> memref<1x32x1024xf32, #tpu.memory_space<vmem>>
    %dma_start3A_469 = tpu.memref_squeeze %dma_start3A_468 : memref<1x32x1024xf32, #tpu.memory_space<vmem>> -> memref<32x1024xf32, #tpu.memory_space<vmem>>
    %dma_start3A_470 = arith.constant 0 : i32
    %dma_start3A_471 = tpu.memref_slice %arg4[%select_n3A, %add3A_464, %dma_start3A_470] : memref<4x2048x1024xf32, #tpu.memory_space<hbm>> -> memref<1x32x1024xf32, #tpu.memory_space<hbm>>
    %dma_start3A_472 = tpu.memref_squeeze %dma_start3A_471 : memref<1x32x1024xf32, #tpu.memory_space<hbm>> -> memref<32x1024xf32, #tpu.memory_space<hbm>>
    %dma_start3A_473 = arith.constant 0 : i32
    %dma_start3A_474 = tpu.memref_slice %arg4[%select_n3A, %add3A_464, %dma_start3A_473] : memref<4x2048x1024xf32, #tpu.memory_space<hbm>> -> memref<1x32x1024xf32, #tpu.memory_space<hbm>>
    %dma_start3A_475 = tpu.memref_squeeze %dma_start3A_474 : memref<1x32x1024xf32, #tpu.memory_space<hbm>> -> memref<32x1024xf32, #tpu.memory_space<hbm>>
    %dma_start3A_476 = arith.constant 0 : i32
    %dma_start3A_477 = arith.constant 0 : i32
    %dma_start3A_478 = tpu.memref_slice %arg8[%dma_start3A_465, %dma_start3A_476, %dma_start3A_477] : memref<3x32x1024xf32, #tpu.memory_space<vmem>> -> memref<1x32x1024xf32, #tpu.memory_space<vmem>>
    %dma_start3A_479 = tpu.memref_squeeze %dma_start3A_478 : memref<1x32x1024xf32, #tpu.memory_space<vmem>> -> memref<32x1024xf32, #tpu.memory_space<vmem>>
    tpu.enqueue_dma source(%dma_start3A_479 : memref<32x1024xf32, #tpu.memory_space<vmem>>) target(%dma_start3A_475 : memref<32x1024xf32, #tpu.memory_space<hbm>>) target_semaphore(%arg17 : memref<!tpu.dma_semaphore, #tpu.memory_space<semaphore_mem>>)
    %dma_wait3A_480 = arith.constant 2 : i32
    %dma_wait3A_481 = arith.constant 0 : i32
    %dma_wait3A_482 = arith.constant 0 : i32
    %dma_wait3A_483 = tpu.memref_slice %arg8[%dma_wait3A_480, %dma_wait3A_481, %dma_wait3A_482] : memref<3x32x1024xf32, #tpu.memory_space<vmem>> -> memref<1x32x1024xf32, #tpu.memory_space<vmem>>
    %dma_wait3A_484 = tpu.memref_squeeze %dma_wait3A_483 : memref<1x32x1024xf32, #tpu.memory_space<vmem>> -> memref<32x1024xf32, #tpu.memory_space<vmem>>
    %dma_wait3A_485 = arith.constant 0 : i32
    %dma_wait3A_486 = tpu.memref_slice %arg4[%select_n3A, %add3A_464, %dma_wait3A_485] : memref<4x2048x1024xf32, #tpu.memory_space<hbm>> -> memref<1x32x1024xf32, #tpu.memory_space<hbm>>
    %dma_wait3A_487 = tpu.memref_squeeze %dma_wait3A_486 : memref<1x32x1024xf32, #tpu.memory_space<hbm>> -> memref<32x1024xf32, #tpu.memory_space<hbm>>
    %dma_wait3A_488 = arith.constant 0 : i32
    %dma_wait3A_489 = tpu.memref_slice %arg4[%select_n3A, %add3A_464, %dma_wait3A_488] : memref<4x2048x1024xf32, #tpu.memory_space<hbm>> -> memref<1x32x1024xf32, #tpu.memory_space<hbm>>
    %dma_wait3A_490 = tpu.memref_squeeze %dma_wait3A_489 : memref<1x32x1024xf32, #tpu.memory_space<hbm>> -> memref<32x1024xf32, #tpu.memory_space<hbm>>
    %dma_wait3A_491 = arith.constant 0 : i32
    %dma_wait3A_492 = arith.constant 0 : i32
    %dma_wait3A_493 = tpu.memref_slice %arg8[%dma_wait3A_480, %dma_wait3A_491, %dma_wait3A_492] : memref<3x32x1024xf32, #tpu.memory_space<vmem>> -> memref<1x32x1024xf32, #tpu.memory_space<vmem>>
    %dma_wait3A_494 = tpu.memref_squeeze %dma_wait3A_493 : memref<1x32x1024xf32, #tpu.memory_space<vmem>> -> memref<32x1024xf32, #tpu.memory_space<vmem>>
    tpu.wait_dma2 semaphore(%arg17 : memref<!tpu.dma_semaphore, #tpu.memory_space<semaphore_mem>>) src(%dma_wait3A_494 : memref<32x1024xf32, #tpu.memory_space<vmem>>) dst(%dma_wait3A_490 : memref<32x1024xf32, #tpu.memory_space<hbm>>)
    %dma_start3A_495 = arith.constant 2 : i32
    %dma_start3A_496 = arith.constant 0 : i32
    %dma_start3A_497 = arith.constant 0 : i32
    %dma_start3A_498 = tpu.memref_slice %arg8[%dma_start3A_495, %dma_start3A_496, %dma_start3A_497] : memref<3x32x1024xf32, #tpu.memory_space<vmem>> -> memref<1x16x1024xf32, #tpu.memory_space<vmem>>
    %dma_start3A_499 = tpu.memref_squeeze %dma_start3A_498 : memref<1x16x1024xf32, #tpu.memory_space<vmem>> -> memref<16x1024xf32, #tpu.memory_space<vmem>>
    %dma_start3A_500 = arith.constant 160 : i32
    %dma_start3A_501 = tpu.memref_slice %arg7[%dma_start3A_500] : memref<256xi32, #tpu.memory_space<vmem>> -> memref<16xi32, #tpu.memory_space<vmem>>
    %dma_start3A_502 = arith.constant 0 : i32
    %dma_start3A_503 = arith.constant 0 : i32
    %dma_start3A_504 = tpu.memref_slice %arg2[%dma_start3A_502, %dma_start3A_503] : memref<100000x1024xf32, #tpu.memory_space<hbm>> -> memref<100000x1024xf32, #tpu.memory_space<hbm>>
    tpu.enqueue_indirect_dma source(%dma_start3A_504 : memref<100000x1024xf32, #tpu.memory_space<hbm>>) target(%dma_start3A_499 : memref<16x1024xf32, #tpu.memory_space<vmem>>) offsets(%dma_start3A_501 : memref<16xi32, #tpu.memory_space<vmem>>) semaphore(%arg13 : memref<!tpu.dma_semaphore, #tpu.memory_space<semaphore_mem>>)
    %dma_wait3A_505 = arith.constant 0 : i32
    %dma_wait3A_506 = arith.constant 0 : i32
    %dma_wait3A_507 = arith.constant 0 : i32
    %dma_wait3A_508 = tpu.memref_slice %arg8[%dma_wait3A_505, %dma_wait3A_506, %dma_wait3A_507] : memref<3x32x1024xf32, #tpu.memory_space<vmem>> -> memref<1x16x1024xf32, #tpu.memory_space<vmem>>
    %dma_wait3A_509 = tpu.memref_squeeze %dma_wait3A_508 : memref<1x16x1024xf32, #tpu.memory_space<vmem>> -> memref<16x1024xf32, #tpu.memory_space<vmem>>
    %dma_wait3A_510 = arith.constant 96 : i32
    %dma_wait3A_511 = tpu.memref_slice %arg7[%dma_wait3A_510] : memref<256xi32, #tpu.memory_space<vmem>> -> memref<16xi32, #tpu.memory_space<vmem>>
    %dma_wait3A_512 = arith.constant 0 : i32
    %dma_wait3A_513 = arith.constant 0 : i32
    %dma_wait3A_514 = tpu.memref_slice %arg2[%dma_wait3A_512, %dma_wait3A_513] : memref<100000x1024xf32, #tpu.memory_space<hbm>> -> memref<100000x1024xf32, #tpu.memory_space<hbm>>
    tpu.wait_indirect_dma semaphore(%arg9 : memref<!tpu.dma_semaphore, #tpu.memory_space<semaphore_mem>>) src(%dma_wait3A_514 : memref<100000x1024xf32, #tpu.memory_space<hbm>>) dst(%dma_wait3A_509 : memref<16x1024xf32, #tpu.memory_space<vmem>>)
    %dma_start3A_515 = arith.constant 2 : i32
    %dma_start3A_516 = arith.constant 16 : i32
    %dma_start3A_517 = arith.constant 0 : i32
    %dma_start3A_518 = tpu.memref_slice %arg8[%dma_start3A_515, %dma_start3A_516, %dma_start3A_517] : memref<3x32x1024xf32, #tpu.memory_space<vmem>> -> memref<1x16x1024xf32, #tpu.memory_space<vmem>>
    %dma_start3A_519 = tpu.memref_squeeze %dma_start3A_518 : memref<1x16x1024xf32, #tpu.memory_space<vmem>> -> memref<16x1024xf32, #tpu.memory_space<vmem>>
    %dma_start3A_520 = arith.constant 176 : i32
    %dma_start3A_521 = tpu.memref_slice %arg7[%dma_start3A_520] : memref<256xi32, #tpu.memory_space<vmem>> -> memref<16xi32, #tpu.memory_space<vmem>>
    %dma_start3A_522 = arith.constant 0 : i32
    %dma_start3A_523 = arith.constant 0 : i32
    %dma_start3A_524 = tpu.memref_slice %arg2[%dma_start3A_522, %dma_start3A_523] : memref<100000x1024xf32, #tpu.memory_space<hbm>> -> memref<100000x1024xf32, #tpu.memory_space<hbm>>
    tpu.enqueue_indirect_dma source(%dma_start3A_524 : memref<100000x1024xf32, #tpu.memory_space<hbm>>) target(%dma_start3A_519 : memref<16x1024xf32, #tpu.memory_space<vmem>>) offsets(%dma_start3A_521 : memref<16xi32, #tpu.memory_space<vmem>>) semaphore(%arg14 : memref<!tpu.dma_semaphore, #tpu.memory_space<semaphore_mem>>)
    %dma_wait3A_525 = arith.constant 0 : i32
    %dma_wait3A_526 = arith.constant 16 : i32
    %dma_wait3A_527 = arith.constant 0 : i32
    %dma_wait3A_528 = tpu.memref_slice %arg8[%dma_wait3A_525, %dma_wait3A_526, %dma_wait3A_527] : memref<3x32x1024xf32, #tpu.memory_space<vmem>> -> memref<1x16x1024xf32, #tpu.memory_space<vmem>>
    %dma_wait3A_529 = tpu.memref_squeeze %dma_wait3A_528 : memref<1x16x1024xf32, #tpu.memory_space<vmem>> -> memref<16x1024xf32, #tpu.memory_space<vmem>>
    %dma_wait3A_530 = arith.constant 112 : i32
    %dma_wait3A_531 = tpu.memref_slice %arg7[%dma_wait3A_530] : memref<256xi32, #tpu.memory_space<vmem>> -> memref<16xi32, #tpu.memory_space<vmem>>
    %dma_wait3A_532 = arith.constant 0 : i32
    %dma_wait3A_533 = arith.constant 0 : i32
    %dma_wait3A_534 = tpu.memref_slice %arg2[%dma_wait3A_532, %dma_wait3A_533] : memref<100000x1024xf32, #tpu.memory_space<hbm>> -> memref<100000x1024xf32, #tpu.memory_space<hbm>>
    tpu.wait_indirect_dma semaphore(%arg10 : memref<!tpu.dma_semaphore, #tpu.memory_space<semaphore_mem>>) src(%dma_wait3A_534 : memref<100000x1024xf32, #tpu.memory_space<hbm>>) dst(%dma_wait3A_529 : memref<16x1024xf32, #tpu.memory_space<vmem>>)
    %add3A_535 = arith.constant 96 : i32
    %add3A_536 = arith.addi %mul3A_32, %add3A_535 : i32
    %dma_start3A_537 = arith.constant 0 : i32
    %dma_start3A_538 = arith.constant 0 : i32
    %dma_start3A_539 = arith.constant 0 : i32
    %dma_start3A_540 = tpu.memref_slice %arg8[%dma_start3A_537, %dma_start3A_538, %dma_start3A_539] : memref<3x32x1024xf32, #tpu.memory_space<vmem>> -> memref<1x32x1024xf32, #tpu.memory_space<vmem>>
    %dma_start3A_541 = tpu.memref_squeeze %dma_start3A_540 : memref<1x32x1024xf32, #tpu.memory_space<vmem>> -> memref<32x1024xf32, #tpu.memory_space<vmem>>
    %dma_start3A_542 = arith.constant 0 : i32
    %dma_start3A_543 = tpu.memref_slice %arg4[%select_n3A, %add3A_536, %dma_start3A_542] : memref<4x2048x1024xf32, #tpu.memory_space<hbm>> -> memref<1x32x1024xf32, #tpu.memory_space<hbm>>
    %dma_start3A_544 = tpu.memref_squeeze %dma_start3A_543 : memref<1x32x1024xf32, #tpu.memory_space<hbm>> -> memref<32x1024xf32, #tpu.memory_space<hbm>>
    %dma_start3A_545 = arith.constant 0 : i32
    %dma_start3A_546 = tpu.memref_slice %arg4[%select_n3A, %add3A_536, %dma_start3A_545] : memref<4x2048x1024xf32, #tpu.memory_space<hbm>> -> memref<1x32x1024xf32, #tpu.memory_space<hbm>>
    %dma_start3A_547 = tpu.memref_squeeze %dma_start3A_546 : memref<1x32x1024xf32, #tpu.memory_space<hbm>> -> memref<32x1024xf32, #tpu.memory_space<hbm>>
    %dma_start3A_548 = arith.constant 0 : i32
    %dma_start3A_549 = arith.constant 0 : i32
    %dma_start3A_550 = tpu.memref_slice %arg8[%dma_start3A_537, %dma_start3A_548, %dma_start3A_549] : memref<3x32x1024xf32, #tpu.memory_space<vmem>> -> memref<1x32x1024xf32, #tpu.memory_space<vmem>>
    %dma_start3A_551 = tpu.memref_squeeze %dma_start3A_550 : memref<1x32x1024xf32, #tpu.memory_space<vmem>> -> memref<32x1024xf32, #tpu.memory_space<vmem>>
    tpu.enqueue_dma source(%dma_start3A_551 : memref<32x1024xf32, #tpu.memory_space<vmem>>) target(%dma_start3A_547 : memref<32x1024xf32, #tpu.memory_space<hbm>>) target_semaphore(%arg15 : memref<!tpu.dma_semaphore, #tpu.memory_space<semaphore_mem>>)
    %dma_wait3A_552 = arith.constant 0 : i32
    %dma_wait3A_553 = arith.constant 0 : i32
    %dma_wait3A_554 = arith.constant 0 : i32
    %dma_wait3A_555 = tpu.memref_slice %arg8[%dma_wait3A_552, %dma_wait3A_553, %dma_wait3A_554] : memref<3x32x1024xf32, #tpu.memory_space<vmem>> -> memref<1x32x1024xf32, #tpu.memory_space<vmem>>
    %dma_wait3A_556 = tpu.memref_squeeze %dma_wait3A_555 : memref<1x32x1024xf32, #tpu.memory_space<vmem>> -> memref<32x1024xf32, #tpu.memory_space<vmem>>
    %dma_wait3A_557 = arith.constant 0 : i32
    %dma_wait3A_558 = tpu.memref_slice %arg4[%select_n3A, %add3A_536, %dma_wait3A_557] : memref<4x2048x1024xf32, #tpu.memory_space<hbm>> -> memref<1x32x1024xf32, #tpu.memory_space<hbm>>
    %dma_wait3A_559 = tpu.memref_squeeze %dma_wait3A_558 : memref<1x32x1024xf32, #tpu.memory_space<hbm>> -> memref<32x1024xf32, #tpu.memory_space<hbm>>
    %dma_wait3A_560 = arith.constant 0 : i32
    %dma_wait3A_561 = tpu.memref_slice %arg4[%select_n3A, %add3A_536, %dma_wait3A_560] : memref<4x2048x1024xf32, #tpu.memory_space<hbm>> -> memref<1x32x1024xf32, #tpu.memory_space<hbm>>
    %dma_wait3A_562 = tpu.memref_squeeze %dma_wait3A_561 : memref<1x32x1024xf32, #tpu.memory_space<hbm>> -> memref<32x1024xf32, #tpu.memory_space<hbm>>
    %dma_wait3A_563 = arith.constant 0 : i32
    %dma_wait3A_564 = arith.constant 0 : i32
    %dma_wait3A_565 = tpu.memref_slice %arg8[%dma_wait3A_552, %dma_wait3A_563, %dma_wait3A_564] : memref<3x32x1024xf32, #tpu.memory_space<vmem>> -> memref<1x32x1024xf32, #tpu.memory_space<vmem>>
    %dma_wait3A_566 = tpu.memref_squeeze %dma_wait3A_565 : memref<1x32x1024xf32, #tpu.memory_space<vmem>> -> memref<32x1024xf32, #tpu.memory_space<vmem>>
    tpu.wait_dma2 semaphore(%arg15 : memref<!tpu.dma_semaphore, #tpu.memory_space<semaphore_mem>>) src(%dma_wait3A_566 : memref<32x1024xf32, #tpu.memory_space<vmem>>) dst(%dma_wait3A_562 : memref<32x1024xf32, #tpu.memory_space<hbm>>)
    %dma_start3A_567 = arith.constant 0 : i32
    %dma_start3A_568 = arith.constant 0 : i32
    %dma_start3A_569 = arith.constant 0 : i32
    %dma_start3A_570 = tpu.memref_slice %arg8[%dma_start3A_567, %dma_start3A_568, %dma_start3A_569] : memref<3x32x1024xf32, #tpu.memory_space<vmem>> -> memref<1x16x1024xf32, #tpu.memory_space<vmem>>
    %dma_start3A_571 = tpu.memref_squeeze %dma_start3A_570 : memref<1x16x1024xf32, #tpu.memory_space<vmem>> -> memref<16x1024xf32, #tpu.memory_space<vmem>>
    %dma_start3A_572 = arith.constant 192 : i32
    %dma_start3A_573 = tpu.memref_slice %arg7[%dma_start3A_572] : memref<256xi32, #tpu.memory_space<vmem>> -> memref<16xi32, #tpu.memory_space<vmem>>
    %dma_start3A_574 = arith.constant 0 : i32
    %dma_start3A_575 = arith.constant 0 : i32
    %dma_start3A_576 = tpu.memref_slice %arg2[%dma_start3A_574, %dma_start3A_575] : memref<100000x1024xf32, #tpu.memory_space<hbm>> -> memref<100000x1024xf32, #tpu.memory_space<hbm>>
    tpu.enqueue_indirect_dma source(%dma_start3A_576 : memref<100000x1024xf32, #tpu.memory_space<hbm>>) target(%dma_start3A_571 : memref<16x1024xf32, #tpu.memory_space<vmem>>) offsets(%dma_start3A_573 : memref<16xi32, #tpu.memory_space<vmem>>) semaphore(%arg9 : memref<!tpu.dma_semaphore, #tpu.memory_space<semaphore_mem>>)
    %dma_wait3A_577 = arith.constant 1 : i32
    %dma_wait3A_578 = arith.constant 0 : i32
    %dma_wait3A_579 = arith.constant 0 : i32
    %dma_wait3A_580 = tpu.memref_slice %arg8[%dma_wait3A_577, %dma_wait3A_578, %dma_wait3A_579] : memref<3x32x1024xf32, #tpu.memory_space<vmem>> -> memref<1x16x1024xf32, #tpu.memory_space<vmem>>
    %dma_wait3A_581 = tpu.memref_squeeze %dma_wait3A_580 : memref<1x16x1024xf32, #tpu.memory_space<vmem>> -> memref<16x1024xf32, #tpu.memory_space<vmem>>
    %dma_wait3A_582 = arith.constant 128 : i32
    %dma_wait3A_583 = tpu.memref_slice %arg7[%dma_wait3A_582] : memref<256xi32, #tpu.memory_space<vmem>> -> memref<16xi32, #tpu.memory_space<vmem>>
    %dma_wait3A_584 = arith.constant 0 : i32
    %dma_wait3A_585 = arith.constant 0 : i32
    %dma_wait3A_586 = tpu.memref_slice %arg2[%dma_wait3A_584, %dma_wait3A_585] : memref<100000x1024xf32, #tpu.memory_space<hbm>> -> memref<100000x1024xf32, #tpu.memory_space<hbm>>
    tpu.wait_indirect_dma semaphore(%arg11 : memref<!tpu.dma_semaphore, #tpu.memory_space<semaphore_mem>>) src(%dma_wait3A_586 : memref<100000x1024xf32, #tpu.memory_space<hbm>>) dst(%dma_wait3A_581 : memref<16x1024xf32, #tpu.memory_space<vmem>>)
    %dma_start3A_587 = arith.constant 0 : i32
    %dma_start3A_588 = arith.constant 16 : i32
    %dma_start3A_589 = arith.constant 0 : i32
    %dma_start3A_590 = tpu.memref_slice %arg8[%dma_start3A_587, %dma_start3A_588, %dma_start3A_589] : memref<3x32x1024xf32, #tpu.memory_space<vmem>> -> memref<1x16x1024xf32, #tpu.memory_space<vmem>>
    %dma_start3A_591 = tpu.memref_squeeze %dma_start3A_590 : memref<1x16x1024xf32, #tpu.memory_space<vmem>> -> memref<16x1024xf32, #tpu.memory_space<vmem>>
    %dma_start3A_592 = arith.constant 208 : i32
    %dma_start3A_593 = tpu.memref_slice %arg7[%dma_start3A_592] : memref<256xi32, #tpu.memory_space<vmem>> -> memref<16xi32, #tpu.memory_space<vmem>>
    %dma_start3A_594 = arith.constant 0 : i32
    %dma_start3A_595 = arith.constant 0 : i32
    %dma_start3A_596 = tpu.memref_slice %arg2[%dma_start3A_594, %dma_start3A_595] : memref<100000x1024xf32, #tpu.memory_space<hbm>> -> memref<100000x1024xf32, #tpu.memory_space<hbm>>
    tpu.enqueue_indirect_dma source(%dma_start3A_596 : memref<100000x1024xf32, #tpu.memory_space<hbm>>) target(%dma_start3A_591 : memref<16x1024xf32, #tpu.memory_space<vmem>>) offsets(%dma_start3A_593 : memref<16xi32, #tpu.memory_space<vmem>>) semaphore(%arg10 : memref<!tpu.dma_semaphore, #tpu.memory_space<semaphore_mem>>)
    %dma_wait3A_597 = arith.constant 1 : i32
    %dma_wait3A_598 = arith.constant 16 : i32
    %dma_wait3A_599 = arith.constant 0 : i32
    %dma_wait3A_600 = tpu.memref_slice %arg8[%dma_wait3A_597, %dma_wait3A_598, %dma_wait3A_599] : memref<3x32x1024xf32, #tpu.memory_space<vmem>> -> memref<1x16x1024xf32, #tpu.memory_space<vmem>>
    %dma_wait3A_601 = tpu.memref_squeeze %dma_wait3A_600 : memref<1x16x1024xf32, #tpu.memory_space<vmem>> -> memref<16x1024xf32, #tpu.memory_space<vmem>>
    %dma_wait3A_602 = arith.constant 144 : i32
    %dma_wait3A_603 = tpu.memref_slice %arg7[%dma_wait3A_602] : memref<256xi32, #tpu.memory_space<vmem>> -> memref<16xi32, #tpu.memory_space<vmem>>
    %dma_wait3A_604 = arith.constant 0 : i32
    %dma_wait3A_605 = arith.constant 0 : i32
    %dma_wait3A_606 = tpu.memref_slice %arg2[%dma_wait3A_604, %dma_wait3A_605] : memref<100000x1024xf32, #tpu.memory_space<hbm>> -> memref<100000x1024xf32, #tpu.memory_space<hbm>>
    tpu.wait_indirect_dma semaphore(%arg12 : memref<!tpu.dma_semaphore, #tpu.memory_space<semaphore_mem>>) src(%dma_wait3A_606 : memref<100000x1024xf32, #tpu.memory_space<hbm>>) dst(%dma_wait3A_601 : memref<16x1024xf32, #tpu.memory_space<vmem>>)
    %add3A_607 = arith.constant 128 : i32
    %add3A_608 = arith.addi %mul3A_32, %add3A_607 : i32
    %dma_start3A_609 = arith.constant 1 : i32
    %dma_start3A_610 = arith.constant 0 : i32
    %dma_start3A_611 = arith.constant 0 : i32
    %dma_start3A_612 = tpu.memref_slice %arg8[%dma_start3A_609, %dma_start3A_610, %dma_start3A_611] : memref<3x32x1024xf32, #tpu.memory_space<vmem>> -> memref<1x32x1024xf32, #tpu.memory_space<vmem>>
    %dma_start3A_613 = tpu.memref_squeeze %dma_start3A_612 : memref<1x32x1024xf32, #tpu.memory_space<vmem>> -> memref<32x1024xf32, #tpu.memory_space<vmem>>
    %dma_start3A_614 = arith.constant 0 : i32
    %dma_start3A_615 = tpu.memref_slice %arg4[%select_n3A, %add3A_608, %dma_start3A_614] : memref<4x2048x1024xf32, #tpu.memory_space<hbm>> -> memref<1x32x1024xf32, #tpu.memory_space<hbm>>
    %dma_start3A_616 = tpu.memref_squeeze %dma_start3A_615 : memref<1x32x1024xf32, #tpu.memory_space<hbm>> -> memref<32x1024xf32, #tpu.memory_space<hbm>>
    %dma_start3A_617 = arith.constant 0 : i32
    %dma_start3A_618 = tpu.memref_slice %arg4[%select_n3A, %add3A_608, %dma_start3A_617] : memref<4x2048x1024xf32, #tpu.memory_space<hbm>> -> memref<1x32x1024xf32, #tpu.memory_space<hbm>>
    %dma_start3A_619 = tpu.memref_squeeze %dma_start3A_618 : memref<1x32x1024xf32, #tpu.memory_space<hbm>> -> memref<32x1024xf32, #tpu.memory_space<hbm>>
    %dma_start3A_620 = arith.constant 0 : i32
    %dma_start3A_621 = arith.constant 0 : i32
    %dma_start3A_622 = tpu.memref_slice %arg8[%dma_start3A_609, %dma_start3A_620, %dma_start3A_621] : memref<3x32x1024xf32, #tpu.memory_space<vmem>> -> memref<1x32x1024xf32, #tpu.memory_space<vmem>>
    %dma_start3A_623 = tpu.memref_squeeze %dma_start3A_622 : memref<1x32x1024xf32, #tpu.memory_space<vmem>> -> memref<32x1024xf32, #tpu.memory_space<vmem>>
    tpu.enqueue_dma source(%dma_start3A_623 : memref<32x1024xf32, #tpu.memory_space<vmem>>) target(%dma_start3A_619 : memref<32x1024xf32, #tpu.memory_space<hbm>>) target_semaphore(%arg16 : memref<!tpu.dma_semaphore, #tpu.memory_space<semaphore_mem>>)
    %dma_wait3A_624 = arith.constant 1 : i32
    %dma_wait3A_625 = arith.constant 0 : i32
    %dma_wait3A_626 = arith.constant 0 : i32
    %dma_wait3A_627 = tpu.memref_slice %arg8[%dma_wait3A_624, %dma_wait3A_625, %dma_wait3A_626] : memref<3x32x1024xf32, #tpu.memory_space<vmem>> -> memref<1x32x1024xf32, #tpu.memory_space<vmem>>
    %dma_wait3A_628 = tpu.memref_squeeze %dma_wait3A_627 : memref<1x32x1024xf32, #tpu.memory_space<vmem>> -> memref<32x1024xf32, #tpu.memory_space<vmem>>
    %dma_wait3A_629 = arith.constant 0 : i32
    %dma_wait3A_630 = tpu.memref_slice %arg4[%select_n3A, %add3A_608, %dma_wait3A_629] : memref<4x2048x1024xf32, #tpu.memory_space<hbm>> -> memref<1x32x1024xf32, #tpu.memory_space<hbm>>
    %dma_wait3A_631 = tpu.memref_squeeze %dma_wait3A_630 : memref<1x32x1024xf32, #tpu.memory_space<hbm>> -> memref<32x1024xf32, #tpu.memory_space<hbm>>
    %dma_wait3A_632 = arith.constant 0 : i32
    %dma_wait3A_633 = tpu.memref_slice %arg4[%select_n3A, %add3A_608, %dma_wait3A_632] : memref<4x2048x1024xf32, #tpu.memory_space<hbm>> -> memref<1x32x1024xf32, #tpu.memory_space<hbm>>
    %dma_wait3A_634 = tpu.memref_squeeze %dma_wait3A_633 : memref<1x32x1024xf32, #tpu.memory_space<hbm>> -> memref<32x1024xf32, #tpu.memory_space<hbm>>
    %dma_wait3A_635 = arith.constant 0 : i32
    %dma_wait3A_636 = arith.constant 0 : i32
    %dma_wait3A_637 = tpu.memref_slice %arg8[%dma_wait3A_624, %dma_wait3A_635, %dma_wait3A_636] : memref<3x32x1024xf32, #tpu.memory_space<vmem>> -> memref<1x32x1024xf32, #tpu.memory_space<vmem>>
    %dma_wait3A_638 = tpu.memref_squeeze %dma_wait3A_637 : memref<1x32x1024xf32, #tpu.memory_space<vmem>> -> memref<32x1024xf32, #tpu.memory_space<vmem>>
    tpu.wait_dma2 semaphore(%arg16 : memref<!tpu.dma_semaphore, #tpu.memory_space<semaphore_mem>>) src(%dma_wait3A_638 : memref<32x1024xf32, #tpu.memory_space<vmem>>) dst(%dma_wait3A_634 : memref<32x1024xf32, #tpu.memory_space<hbm>>)
    %dma_start3A_639 = arith.constant 1 : i32
    %dma_start3A_640 = arith.constant 0 : i32
    %dma_start3A_641 = arith.constant 0 : i32
    %dma_start3A_642 = tpu.memref_slice %arg8[%dma_start3A_639, %dma_start3A_640, %dma_start3A_641] : memref<3x32x1024xf32, #tpu.memory_space<vmem>> -> memref<1x16x1024xf32, #tpu.memory_space<vmem>>
    %dma_start3A_643 = tpu.memref_squeeze %dma_start3A_642 : memref<1x16x1024xf32, #tpu.memory_space<vmem>> -> memref<16x1024xf32, #tpu.memory_space<vmem>>
    %dma_start3A_644 = arith.constant 224 : i32
    %dma_start3A_645 = tpu.memref_slice %arg7[%dma_start3A_644] : memref<256xi32, #tpu.memory_space<vmem>> -> memref<16xi32, #tpu.memory_space<vmem>>
    %dma_start3A_646 = arith.constant 0 : i32
    %dma_start3A_647 = arith.constant 0 : i32
    %dma_start3A_648 = tpu.memref_slice %arg2[%dma_start3A_646, %dma_start3A_647] : memref<100000x1024xf32, #tpu.memory_space<hbm>> -> memref<100000x1024xf32, #tpu.memory_space<hbm>>
    tpu.enqueue_indirect_dma source(%dma_start3A_648 : memref<100000x1024xf32, #tpu.memory_space<hbm>>) target(%dma_start3A_643 : memref<16x1024xf32, #tpu.memory_space<vmem>>) offsets(%dma_start3A_645 : memref<16xi32, #tpu.memory_space<vmem>>) semaphore(%arg11 : memref<!tpu.dma_semaphore, #tpu.memory_space<semaphore_mem>>)
    %dma_wait3A_649 = arith.constant 2 : i32
    %dma_wait3A_650 = arith.constant 0 : i32
    %dma_wait3A_651 = arith.constant 0 : i32
    %dma_wait3A_652 = tpu.memref_slice %arg8[%dma_wait3A_649, %dma_wait3A_650, %dma_wait3A_651] : memref<3x32x1024xf32, #tpu.memory_space<vmem>> -> memref<1x16x1024xf32, #tpu.memory_space<vmem>>
    %dma_wait3A_653 = tpu.memref_squeeze %dma_wait3A_652 : memref<1x16x1024xf32, #tpu.memory_space<vmem>> -> memref<16x1024xf32, #tpu.memory_space<vmem>>
    %dma_wait3A_654 = arith.constant 160 : i32
    %dma_wait3A_655 = tpu.memref_slice %arg7[%dma_wait3A_654] : memref<256xi32, #tpu.memory_space<vmem>> -> memref<16xi32, #tpu.memory_space<vmem>>
    %dma_wait3A_656 = arith.constant 0 : i32
    %dma_wait3A_657 = arith.constant 0 : i32
    %dma_wait3A_658 = tpu.memref_slice %arg2[%dma_wait3A_656, %dma_wait3A_657] : memref<100000x1024xf32, #tpu.memory_space<hbm>> -> memref<100000x1024xf32, #tpu.memory_space<hbm>>
    tpu.wait_indirect_dma semaphore(%arg13 : memref<!tpu.dma_semaphore, #tpu.memory_space<semaphore_mem>>) src(%dma_wait3A_658 : memref<100000x1024xf32, #tpu.memory_space<hbm>>) dst(%dma_wait3A_653 : memref<16x1024xf32, #tpu.memory_space<vmem>>)
    %dma_start3A_659 = arith.constant 1 : i32
    %dma_start3A_660 = arith.constant 16 : i32
    %dma_start3A_661 = arith.constant 0 : i32
    %dma_start3A_662 = tpu.memref_slice %arg8[%dma_start3A_659, %dma_start3A_660, %dma_start3A_661] : memref<3x32x1024xf32, #tpu.memory_space<vmem>> -> memref<1x16x1024xf32, #tpu.memory_space<vmem>>
    %dma_start3A_663 = tpu.memref_squeeze %dma_start3A_662 : memref<1x16x1024xf32, #tpu.memory_space<vmem>> -> memref<16x1024xf32, #tpu.memory_space<vmem>>
    %dma_start3A_664 = arith.constant 240 : i32
    %dma_start3A_665 = tpu.memref_slice %arg7[%dma_start3A_664] : memref<256xi32, #tpu.memory_space<vmem>> -> memref<16xi32, #tpu.memory_space<vmem>>
    %dma_start3A_666 = arith.constant 0 : i32
    %dma_start3A_667 = arith.constant 0 : i32
    %dma_start3A_668 = tpu.memref_slice %arg2[%dma_start3A_666, %dma_start3A_667] : memref<100000x1024xf32, #tpu.memory_space<hbm>> -> memref<100000x1024xf32, #tpu.memory_space<hbm>>
    tpu.enqueue_indirect_dma source(%dma_start3A_668 : memref<100000x1024xf32, #tpu.memory_space<hbm>>) target(%dma_start3A_663 : memref<16x1024xf32, #tpu.memory_space<vmem>>) offsets(%dma_start3A_665 : memref<16xi32, #tpu.memory_space<vmem>>) semaphore(%arg12 : memref<!tpu.dma_semaphore, #tpu.memory_space<semaphore_mem>>)
    %dma_wait3A_669 = arith.constant 2 : i32
    %dma_wait3A_670 = arith.constant 16 : i32
    %dma_wait3A_671 = arith.constant 0 : i32
    %dma_wait3A_672 = tpu.memref_slice %arg8[%dma_wait3A_669, %dma_wait3A_670, %dma_wait3A_671] : memref<3x32x1024xf32, #tpu.memory_space<vmem>> -> memref<1x16x1024xf32, #tpu.memory_space<vmem>>
    %dma_wait3A_673 = tpu.memref_squeeze %dma_wait3A_672 : memref<1x16x1024xf32, #tpu.memory_space<vmem>> -> memref<16x1024xf32, #tpu.memory_space<vmem>>
    %dma_wait3A_674 = arith.constant 176 : i32
    %dma_wait3A_675 = tpu.memref_slice %arg7[%dma_wait3A_674] : memref<256xi32, #tpu.memory_space<vmem>> -> memref<16xi32, #tpu.memory_space<vmem>>
    %dma_wait3A_676 = arith.constant 0 : i32
    %dma_wait3A_677 = arith.constant 0 : i32
    %dma_wait3A_678 = tpu.memref_slice %arg2[%dma_wait3A_676, %dma_wait3A_677] : memref<100000x1024xf32, #tpu.memory_space<hbm>> -> memref<100000x1024xf32, #tpu.memory_space<hbm>>
    tpu.wait_indirect_dma semaphore(%arg14 : memref<!tpu.dma_semaphore, #tpu.memory_space<semaphore_mem>>) src(%dma_wait3A_678 : memref<100000x1024xf32, #tpu.memory_space<hbm>>) dst(%dma_wait3A_673 : memref<16x1024xf32, #tpu.memory_space<vmem>>)
    %add3A_679 = arith.constant 160 : i32
    %add3A_680 = arith.addi %mul3A_32, %add3A_679 : i32
    %dma_start3A_681 = arith.constant 2 : i32
    %dma_start3A_682 = arith.constant 0 : i32
    %dma_start3A_683 = arith.constant 0 : i32
    %dma_start3A_684 = tpu.memref_slice %arg8[%dma_start3A_681, %dma_start3A_682, %dma_start3A_683] : memref<3x32x1024xf32, #tpu.memory_space<vmem>> -> memref<1x32x1024xf32, #tpu.memory_space<vmem>>
    %dma_start3A_685 = tpu.memref_squeeze %dma_start3A_684 : memref<1x32x1024xf32, #tpu.memory_space<vmem>> -> memref<32x1024xf32, #tpu.memory_space<vmem>>
    %dma_start3A_686 = arith.constant 0 : i32
    %dma_start3A_687 = tpu.memref_slice %arg4[%select_n3A, %add3A_680, %dma_start3A_686] : memref<4x2048x1024xf32, #tpu.memory_space<hbm>> -> memref<1x32x1024xf32, #tpu.memory_space<hbm>>
    %dma_start3A_688 = tpu.memref_squeeze %dma_start3A_687 : memref<1x32x1024xf32, #tpu.memory_space<hbm>> -> memref<32x1024xf32, #tpu.memory_space<hbm>>
    %dma_start3A_689 = arith.constant 0 : i32
    %dma_start3A_690 = tpu.memref_slice %arg4[%select_n3A, %add3A_680, %dma_start3A_689] : memref<4x2048x1024xf32, #tpu.memory_space<hbm>> -> memref<1x32x1024xf32, #tpu.memory_space<hbm>>
    %dma_start3A_691 = tpu.memref_squeeze %dma_start3A_690 : memref<1x32x1024xf32, #tpu.memory_space<hbm>> -> memref<32x1024xf32, #tpu.memory_space<hbm>>
    %dma_start3A_692 = arith.constant 0 : i32
    %dma_start3A_693 = arith.constant 0 : i32
    %dma_start3A_694 = tpu.memref_slice %arg8[%dma_start3A_681, %dma_start3A_692, %dma_start3A_693] : memref<3x32x1024xf32, #tpu.memory_space<vmem>> -> memref<1x32x1024xf32, #tpu.memory_space<vmem>>
    %dma_start3A_695 = tpu.memref_squeeze %dma_start3A_694 : memref<1x32x1024xf32, #tpu.memory_space<vmem>> -> memref<32x1024xf32, #tpu.memory_space<vmem>>
    tpu.enqueue_dma source(%dma_start3A_695 : memref<32x1024xf32, #tpu.memory_space<vmem>>) target(%dma_start3A_691 : memref<32x1024xf32, #tpu.memory_space<hbm>>) target_semaphore(%arg17 : memref<!tpu.dma_semaphore, #tpu.memory_space<semaphore_mem>>)
    %dma_wait3A_696 = arith.constant 0 : i32
    %dma_wait3A_697 = arith.constant 0 : i32
    %dma_wait3A_698 = arith.constant 0 : i32
    %dma_wait3A_699 = tpu.memref_slice %arg8[%dma_wait3A_696, %dma_wait3A_697, %dma_wait3A_698] : memref<3x32x1024xf32, #tpu.memory_space<vmem>> -> memref<1x16x1024xf32, #tpu.memory_space<vmem>>
    %dma_wait3A_700 = tpu.memref_squeeze %dma_wait3A_699 : memref<1x16x1024xf32, #tpu.memory_space<vmem>> -> memref<16x1024xf32, #tpu.memory_space<vmem>>
    %dma_wait3A_701 = arith.constant 192 : i32
    %dma_wait3A_702 = tpu.memref_slice %arg7[%dma_wait3A_701] : memref<256xi32, #tpu.memory_space<vmem>> -> memref<16xi32, #tpu.memory_space<vmem>>
    %dma_wait3A_703 = arith.constant 0 : i32
    %dma_wait3A_704 = arith.constant 0 : i32
    %dma_wait3A_705 = tpu.memref_slice %arg2[%dma_wait3A_703, %dma_wait3A_704] : memref<100000x1024xf32, #tpu.memory_space<hbm>> -> memref<100000x1024xf32, #tpu.memory_space<hbm>>
    tpu.wait_indirect_dma semaphore(%arg9 : memref<!tpu.dma_semaphore, #tpu.memory_space<semaphore_mem>>) src(%dma_wait3A_705 : memref<100000x1024xf32, #tpu.memory_space<hbm>>) dst(%dma_wait3A_700 : memref<16x1024xf32, #tpu.memory_space<vmem>>)
    %dma_wait3A_706 = arith.constant 0 : i32
    %dma_wait3A_707 = arith.constant 16 : i32
    %dma_wait3A_708 = arith.constant 0 : i32
    %dma_wait3A_709 = tpu.memref_slice %arg8[%dma_wait3A_706, %dma_wait3A_707, %dma_wait3A_708] : memref<3x32x1024xf32, #tpu.memory_space<vmem>> -> memref<1x16x1024xf32, #tpu.memory_space<vmem>>
    %dma_wait3A_710 = tpu.memref_squeeze %dma_wait3A_709 : memref<1x16x1024xf32, #tpu.memory_space<vmem>> -> memref<16x1024xf32, #tpu.memory_space<vmem>>
    %dma_wait3A_711 = arith.constant 208 : i32
    %dma_wait3A_712 = tpu.memref_slice %arg7[%dma_wait3A_711] : memref<256xi32, #tpu.memory_space<vmem>> -> memref<16xi32, #tpu.memory_space<vmem>>
    %dma_wait3A_713 = arith.constant 0 : i32
    %dma_wait3A_714 = arith.constant 0 : i32
    %dma_wait3A_715 = tpu.memref_slice %arg2[%dma_wait3A_713, %dma_wait3A_714] : memref<100000x1024xf32, #tpu.memory_space<hbm>> -> memref<100000x1024xf32, #tpu.memory_space<hbm>>
    tpu.wait_indirect_dma semaphore(%arg10 : memref<!tpu.dma_semaphore, #tpu.memory_space<semaphore_mem>>) src(%dma_wait3A_715 : memref<100000x1024xf32, #tpu.memory_space<hbm>>) dst(%dma_wait3A_710 : memref<16x1024xf32, #tpu.memory_space<vmem>>)
    %add3A_716 = arith.constant 192 : i32
    %add3A_717 = arith.addi %mul3A_32, %add3A_716 : i32
    %dma_start3A_718 = arith.constant 0 : i32
    %dma_start3A_719 = arith.constant 0 : i32
    %dma_start3A_720 = arith.constant 0 : i32
    %dma_start3A_721 = tpu.memref_slice %arg8[%dma_start3A_718, %dma_start3A_719, %dma_start3A_720] : memref<3x32x1024xf32, #tpu.memory_space<vmem>> -> memref<1x32x1024xf32, #tpu.memory_space<vmem>>
    %dma_start3A_722 = tpu.memref_squeeze %dma_start3A_721 : memref<1x32x1024xf32, #tpu.memory_space<vmem>> -> memref<32x1024xf32, #tpu.memory_space<vmem>>
    %dma_start3A_723 = arith.constant 0 : i32
    %dma_start3A_724 = tpu.memref_slice %arg4[%select_n3A, %add3A_717, %dma_start3A_723] : memref<4x2048x1024xf32, #tpu.memory_space<hbm>> -> memref<1x32x1024xf32, #tpu.memory_space<hbm>>
    %dma_start3A_725 = tpu.memref_squeeze %dma_start3A_724 : memref<1x32x1024xf32, #tpu.memory_space<hbm>> -> memref<32x1024xf32, #tpu.memory_space<hbm>>
    %dma_start3A_726 = arith.constant 0 : i32
    %dma_start3A_727 = tpu.memref_slice %arg4[%select_n3A, %add3A_717, %dma_start3A_726] : memref<4x2048x1024xf32, #tpu.memory_space<hbm>> -> memref<1x32x1024xf32, #tpu.memory_space<hbm>>
    %dma_start3A_728 = tpu.memref_squeeze %dma_start3A_727 : memref<1x32x1024xf32, #tpu.memory_space<hbm>> -> memref<32x1024xf32, #tpu.memory_space<hbm>>
    %dma_start3A_729 = arith.constant 0 : i32
    %dma_start3A_730 = arith.constant 0 : i32
    %dma_start3A_731 = tpu.memref_slice %arg8[%dma_start3A_718, %dma_start3A_729, %dma_start3A_730] : memref<3x32x1024xf32, #tpu.memory_space<vmem>> -> memref<1x32x1024xf32, #tpu.memory_space<vmem>>
    %dma_start3A_732 = tpu.memref_squeeze %dma_start3A_731 : memref<1x32x1024xf32, #tpu.memory_space<vmem>> -> memref<32x1024xf32, #tpu.memory_space<vmem>>
    tpu.enqueue_dma source(%dma_start3A_732 : memref<32x1024xf32, #tpu.memory_space<vmem>>) target(%dma_start3A_728 : memref<32x1024xf32, #tpu.memory_space<hbm>>) target_semaphore(%arg15 : memref<!tpu.dma_semaphore, #tpu.memory_space<semaphore_mem>>)
    %dma_wait3A_733 = arith.constant 1 : i32
    %dma_wait3A_734 = arith.constant 0 : i32
    %dma_wait3A_735 = arith.constant 0 : i32
    %dma_wait3A_736 = tpu.memref_slice %arg8[%dma_wait3A_733, %dma_wait3A_734, %dma_wait3A_735] : memref<3x32x1024xf32, #tpu.memory_space<vmem>> -> memref<1x16x1024xf32, #tpu.memory_space<vmem>>
    %dma_wait3A_737 = tpu.memref_squeeze %dma_wait3A_736 : memref<1x16x1024xf32, #tpu.memory_space<vmem>> -> memref<16x1024xf32, #tpu.memory_space<vmem>>
    %dma_wait3A_738 = arith.constant 224 : i32
    %dma_wait3A_739 = tpu.memref_slice %arg7[%dma_wait3A_738] : memref<256xi32, #tpu.memory_space<vmem>> -> memref<16xi32, #tpu.memory_space<vmem>>
    %dma_wait3A_740 = arith.constant 0 : i32
    %dma_wait3A_741 = arith.constant 0 : i32
    %dma_wait3A_742 = tpu.memref_slice %arg2[%dma_wait3A_740, %dma_wait3A_741] : memref<100000x1024xf32, #tpu.memory_space<hbm>> -> memref<100000x1024xf32, #tpu.memory_space<hbm>>
    tpu.wait_indirect_dma semaphore(%arg11 : memref<!tpu.dma_semaphore, #tpu.memory_space<semaphore_mem>>) src(%dma_wait3A_742 : memref<100000x1024xf32, #tpu.memory_space<hbm>>) dst(%dma_wait3A_737 : memref<16x1024xf32, #tpu.memory_space<vmem>>)
    %dma_wait3A_743 = arith.constant 1 : i32
    %dma_wait3A_744 = arith.constant 16 : i32
    %dma_wait3A_745 = arith.constant 0 : i32
    %dma_wait3A_746 = tpu.memref_slice %arg8[%dma_wait3A_743, %dma_wait3A_744, %dma_wait3A_745] : memref<3x32x1024xf32, #tpu.memory_space<vmem>> -> memref<1x16x1024xf32, #tpu.memory_space<vmem>>
    %dma_wait3A_747 = tpu.memref_squeeze %dma_wait3A_746 : memref<1x16x1024xf32, #tpu.memory_space<vmem>> -> memref<16x1024xf32, #tpu.memory_space<vmem>>
    %dma_wait3A_748 = arith.constant 240 : i32
    %dma_wait3A_749 = tpu.memref_slice %arg7[%dma_wait3A_748] : memref<256xi32, #tpu.memory_space<vmem>> -> memref<16xi32, #tpu.memory_space<vmem>>
    %dma_wait3A_750 = arith.constant 0 : i32
    %dma_wait3A_751 = arith.constant 0 : i32
    %dma_wait3A_752 = tpu.memref_slice %arg2[%dma_wait3A_750, %dma_wait3A_751] : memref<100000x1024xf32, #tpu.memory_space<hbm>> -> memref<100000x1024xf32, #tpu.memory_space<hbm>>
    tpu.wait_indirect_dma semaphore(%arg12 : memref<!tpu.dma_semaphore, #tpu.memory_space<semaphore_mem>>) src(%dma_wait3A_752 : memref<100000x1024xf32, #tpu.memory_space<hbm>>) dst(%dma_wait3A_747 : memref<16x1024xf32, #tpu.memory_space<vmem>>)
    %add3A_753 = arith.constant 224 : i32
    %add3A_754 = arith.addi %mul3A_32, %add3A_753 : i32
    %dma_start3A_755 = arith.constant 1 : i32
    %dma_start3A_756 = arith.constant 0 : i32
    %dma_start3A_757 = arith.constant 0 : i32
    %dma_start3A_758 = tpu.memref_slice %arg8[%dma_start3A_755, %dma_start3A_756, %dma_start3A_757] : memref<3x32x1024xf32, #tpu.memory_space<vmem>> -> memref<1x32x1024xf32, #tpu.memory_space<vmem>>
    %dma_start3A_759 = tpu.memref_squeeze %dma_start3A_758 : memref<1x32x1024xf32, #tpu.memory_space<vmem>> -> memref<32x1024xf32, #tpu.memory_space<vmem>>
    %dma_start3A_760 = arith.constant 0 : i32
    %dma_start3A_761 = tpu.memref_slice %arg4[%select_n3A, %add3A_754, %dma_start3A_760] : memref<4x2048x1024xf32, #tpu.memory_space<hbm>> -> memref<1x32x1024xf32, #tpu.memory_space<hbm>>
    %dma_start3A_762 = tpu.memref_squeeze %dma_start3A_761 : memref<1x32x1024xf32, #tpu.memory_space<hbm>> -> memref<32x1024xf32, #tpu.memory_space<hbm>>
    %dma_start3A_763 = arith.constant 0 : i32
    %dma_start3A_764 = tpu.memref_slice %arg4[%select_n3A, %add3A_754, %dma_start3A_763] : memref<4x2048x1024xf32, #tpu.memory_space<hbm>> -> memref<1x32x1024xf32, #tpu.memory_space<hbm>>
    %dma_start3A_765 = tpu.memref_squeeze %dma_start3A_764 : memref<1x32x1024xf32, #tpu.memory_space<hbm>> -> memref<32x1024xf32, #tpu.memory_space<hbm>>
    %dma_start3A_766 = arith.constant 0 : i32
    %dma_start3A_767 = arith.constant 0 : i32
    %dma_start3A_768 = tpu.memref_slice %arg8[%dma_start3A_755, %dma_start3A_766, %dma_start3A_767] : memref<3x32x1024xf32, #tpu.memory_space<vmem>> -> memref<1x32x1024xf32, #tpu.memory_space<vmem>>
    %dma_start3A_769 = tpu.memref_squeeze %dma_start3A_768 : memref<1x32x1024xf32, #tpu.memory_space<vmem>> -> memref<32x1024xf32, #tpu.memory_space<vmem>>
    tpu.enqueue_dma source(%dma_start3A_769 : memref<32x1024xf32, #tpu.memory_space<vmem>>) target(%dma_start3A_765 : memref<32x1024xf32, #tpu.memory_space<hbm>>) target_semaphore(%arg16 : memref<!tpu.dma_semaphore, #tpu.memory_space<semaphore_mem>>)
    %dma_wait3A_770 = arith.constant 2 : i32
    %dma_wait3A_771 = arith.constant 0 : i32
    %dma_wait3A_772 = arith.constant 0 : i32
    %dma_wait3A_773 = tpu.memref_slice %arg8[%dma_wait3A_770, %dma_wait3A_771, %dma_wait3A_772] : memref<3x32x1024xf32, #tpu.memory_space<vmem>> -> memref<1x32x1024xf32, #tpu.memory_space<vmem>>
    %dma_wait3A_774 = tpu.memref_squeeze %dma_wait3A_773 : memref<1x32x1024xf32, #tpu.memory_space<vmem>> -> memref<32x1024xf32, #tpu.memory_space<vmem>>
    %dma_wait3A_775 = arith.constant 0 : i32
    %dma_wait3A_776 = tpu.memref_slice %arg4[%select_n3A, %add3A_680, %dma_wait3A_775] : memref<4x2048x1024xf32, #tpu.memory_space<hbm>> -> memref<1x32x1024xf32, #tpu.memory_space<hbm>>
    %dma_wait3A_777 = tpu.memref_squeeze %dma_wait3A_776 : memref<1x32x1024xf32, #tpu.memory_space<hbm>> -> memref<32x1024xf32, #tpu.memory_space<hbm>>
    %dma_wait3A_778 = arith.constant 0 : i32
    %dma_wait3A_779 = tpu.memref_slice %arg4[%select_n3A, %add3A_680, %dma_wait3A_778] : memref<4x2048x1024xf32, #tpu.memory_space<hbm>> -> memref<1x32x1024xf32, #tpu.memory_space<hbm>>
    %dma_wait3A_780 = tpu.memref_squeeze %dma_wait3A_779 : memref<1x32x1024xf32, #tpu.memory_space<hbm>> -> memref<32x1024xf32, #tpu.memory_space<hbm>>
    %dma_wait3A_781 = arith.constant 0 : i32
    %dma_wait3A_782 = arith.constant 0 : i32
    %dma_wait3A_783 = tpu.memref_slice %arg8[%dma_wait3A_770, %dma_wait3A_781, %dma_wait3A_782] : memref<3x32x1024xf32, #tpu.memory_space<vmem>> -> memref<1x32x1024xf32, #tpu.memory_space<vmem>>
    %dma_wait3A_784 = tpu.memref_squeeze %dma_wait3A_783 : memref<1x32x1024xf32, #tpu.memory_space<vmem>> -> memref<32x1024xf32, #tpu.memory_space<vmem>>
    tpu.wait_dma2 semaphore(%arg17 : memref<!tpu.dma_semaphore, #tpu.memory_space<semaphore_mem>>) src(%dma_wait3A_784 : memref<32x1024xf32, #tpu.memory_space<vmem>>) dst(%dma_wait3A_780 : memref<32x1024xf32, #tpu.memory_space<hbm>>)
    %dma_wait3A_785 = arith.constant 0 : i32
    %dma_wait3A_786 = arith.constant 0 : i32
    %dma_wait3A_787 = arith.constant 0 : i32
    %dma_wait3A_788 = tpu.memref_slice %arg8[%dma_wait3A_785, %dma_wait3A_786, %dma_wait3A_787] : memref<3x32x1024xf32, #tpu.memory_space<vmem>> -> memref<1x32x1024xf32, #tpu.memory_space<vmem>>
    %dma_wait3A_789 = tpu.memref_squeeze %dma_wait3A_788 : memref<1x32x1024xf32, #tpu.memory_space<vmem>> -> memref<32x1024xf32, #tpu.memory_space<vmem>>
    %dma_wait3A_790 = arith.constant 0 : i32
    %dma_wait3A_791 = tpu.memref_slice %arg4[%select_n3A, %add3A_717, %dma_wait3A_790] : memref<4x2048x1024xf32, #tpu.memory_space<hbm>> -> memref<1x32x1024xf32, #tpu.memory_space<hbm>>
    %dma_wait3A_792 = tpu.memref_squeeze %dma_wait3A_791 : memref<1x32x1024xf32, #tpu.memory_space<hbm>> -> memref<32x1024xf32, #tpu.memory_space<hbm>>
    %dma_wait3A_793 = arith.constant 0 : i32
    %dma_wait3A_794 = tpu.memref_slice %arg4[%select_n3A, %add3A_717, %dma_wait3A_793] : memref<4x2048x1024xf32, #tpu.memory_space<hbm>> -> memref<1x32x1024xf32, #tpu.memory_space<hbm>>
    %dma_wait3A_795 = tpu.memref_squeeze %dma_wait3A_794 : memref<1x32x1024xf32, #tpu.memory_space<hbm>> -> memref<32x1024xf32, #tpu.memory_space<hbm>>
    %dma_wait3A_796 = arith.constant 0 : i32
    %dma_wait3A_797 = arith.constant 0 : i32
    %dma_wait3A_798 = tpu.memref_slice %arg8[%dma_wait3A_785, %dma_wait3A_796, %dma_wait3A_797] : memref<3x32x1024xf32, #tpu.memory_space<vmem>> -> memref<1x32x1024xf32, #tpu.memory_space<vmem>>
    %dma_wait3A_799 = tpu.memref_squeeze %dma_wait3A_798 : memref<1x32x1024xf32, #tpu.memory_space<vmem>> -> memref<32x1024xf32, #tpu.memory_space<vmem>>
    tpu.wait_dma2 semaphore(%arg15 : memref<!tpu.dma_semaphore, #tpu.memory_space<semaphore_mem>>) src(%dma_wait3A_799 : memref<32x1024xf32, #tpu.memory_space<vmem>>) dst(%dma_wait3A_795 : memref<32x1024xf32, #tpu.memory_space<hbm>>)
    %dma_wait3A_800 = arith.constant 1 : i32
    %dma_wait3A_801 = arith.constant 0 : i32
    %dma_wait3A_802 = arith.constant 0 : i32
    %dma_wait3A_803 = tpu.memref_slice %arg8[%dma_wait3A_800, %dma_wait3A_801, %dma_wait3A_802] : memref<3x32x1024xf32, #tpu.memory_space<vmem>> -> memref<1x32x1024xf32, #tpu.memory_space<vmem>>
    %dma_wait3A_804 = tpu.memref_squeeze %dma_wait3A_803 : memref<1x32x1024xf32, #tpu.memory_space<vmem>> -> memref<32x1024xf32, #tpu.memory_space<vmem>>
    %dma_wait3A_805 = arith.constant 0 : i32
    %dma_wait3A_806 = tpu.memref_slice %arg4[%select_n3A, %add3A_754, %dma_wait3A_805] : memref<4x2048x1024xf32, #tpu.memory_space<hbm>> -> memref<1x32x1024xf32, #tpu.memory_space<hbm>>
    %dma_wait3A_807 = tpu.memref_squeeze %dma_wait3A_806 : memref<1x32x1024xf32, #tpu.memory_space<hbm>> -> memref<32x1024xf32, #tpu.memory_space<hbm>>
    %dma_wait3A_808 = arith.constant 0 : i32
    %dma_wait3A_809 = tpu.memref_slice %arg4[%select_n3A, %add3A_754, %dma_wait3A_808] : memref<4x2048x1024xf32, #tpu.memory_space<hbm>> -> memref<1x32x1024xf32, #tpu.memory_space<hbm>>
    %dma_wait3A_810 = tpu.memref_squeeze %dma_wait3A_809 : memref<1x32x1024xf32, #tpu.memory_space<hbm>> -> memref<32x1024xf32, #tpu.memory_space<hbm>>
    %dma_wait3A_811 = arith.constant 0 : i32
    %dma_wait3A_812 = arith.constant 0 : i32
    %dma_wait3A_813 = tpu.memref_slice %arg8[%dma_wait3A_800, %dma_wait3A_811, %dma_wait3A_812] : memref<3x32x1024xf32, #tpu.memory_space<vmem>> -> memref<1x32x1024xf32, #tpu.memory_space<vmem>>
    %dma_wait3A_814 = tpu.memref_squeeze %dma_wait3A_813 : memref<1x32x1024xf32, #tpu.memory_space<vmem>> -> memref<32x1024xf32, #tpu.memory_space<vmem>>
    tpu.wait_dma2 semaphore(%arg16 : memref<!tpu.dma_semaphore, #tpu.memory_space<semaphore_mem>>) src(%dma_wait3A_814 : memref<32x1024xf32, #tpu.memory_space<vmem>>) dst(%dma_wait3A_810 : memref<32x1024xf32, #tpu.memory_space<hbm>>)
    %dma_wait3A_815 = tpu.memref_slice %arg5[%select_n3A, %mul3A_32] : memref<4x2048xi32, #tpu.memory_space<hbm>> -> memref<1x256xi32, #tpu.memory_space<hbm>>
    %dma_wait3A_816 = tpu.memref_squeeze %dma_wait3A_815 : memref<1x256xi32, #tpu.memory_space<hbm>> -> memref<256xi32, #tpu.memory_space<hbm>>
    %dma_wait3A_817 = tpu.memref_slice %arg5[%select_n3A, %mul3A_32] : memref<4x2048xi32, #tpu.memory_space<hbm>> -> memref<1x256xi32, #tpu.memory_space<hbm>>
    %dma_wait3A_818 = tpu.memref_squeeze %dma_wait3A_817 : memref<1x256xi32, #tpu.memory_space<hbm>> -> memref<256xi32, #tpu.memory_space<hbm>>
    tpu.wait_dma2 semaphore(%arg18 : memref<!tpu.dma_semaphore, #tpu.memory_space<semaphore_mem>>) src(%arg6 : memref<256xi32, #tpu.memory_space<vmem>>) dst(%dma_wait3A_818 : memref<256xi32, #tpu.memory_space<hbm>>)
    return
  }
}

</mosaic_0001>

<sc_bundles>
// kernel: kernel.3.cloned.1.call-start
scs
__scs_entry_jumppad:
0x0: {  	(pc) =	sbr.rel $0x88, $3  }
0x1: {  	(tag) =	ssettag $0x0;
	lr =	simm.s32 $0x1  }
0x2: {  	[smem:$0x3F9D] =	sst lr;
	_ =	strace $0xD0000000  }
0x3: {  	_ = 	snop  }
0x4: {  	_ = 	snop  }
0x5: {  	_ = 	snop  }
0x6: {  	_ = 	snop  }
0x7: {  	_ = 	snop  }
__scs_overlays_trampoline_lowered:
0x8: {  	[smem:$0x3FAC] =	sst s0  }
0x9: {  	[smem:$0x3FAD] =	sst s1  }
0xa: {  	[smem:$0x3FAE] =	sst s2  }
0xb: {  	[smem:$0x3FAF] =	sst s3  }
0xc: {  	[smem:$0x3FB0] =	sst s4  }
0xd: {  	[smem:$0x3FB1] =	sst s5  }
0xe: {  	[smem:$0x3FB2] =	sst s6  }
0xf: {  	[smem:$0x3FB3] =	sst s7  }
0x10: {  	[smem:$0x3FB4] =	sst s8  }
0x11: {  	[smem:$0x3FB5] =	sst s9;
	s0 =	simm.s32 @!p0 $0x0  }
0x12: {  	s1 =	sld [smem:$0x3F9B];
	s0 =	simm.s32 @p0 $0x1  }
0x13: {  	[smem:$0x3FB6] =	sst s0;
	s0 =	simm.s32 @!p1 $0x0  }
0x14: {  	s2 =	sld [smem:$0x3F9A];
	s0 =	simm.s32 @p1 $0x1  }
0x15: {  	[smem:$0x3FB7] =	sst s0;
	s0 =	simm.s32 @!p2 $0x0  }
0x16: {  	s3 =	sld [smem:$0x3FDB];
	s0 =	simm.s32 @p2 $0x1  }
0x17: {  	s4 =	simm.s32 $0x1BF5;
	[smem:$0x3FB9] =	sst s0  }
0x18: {  	s0 =	sld [smem:$0x3F9C];
	_ =	swait.ge [sflag:s4], $0x0  }
0x19: {  	s7 =	sld [smem:$0x3F9D]  }
0x1a: {  	s8 =	sadd.s32 $0xFFFFE003, lr  }
0x1b: {  	s9 =	sadd.s32 $0xFFFFFEF7, lr;
	s5 =	simm.s32 $0xFFFFFFFF;
	p2 =	slt.u32 s8, $0xFFFFF086  }
0x1c: {  	p1 =	slt.u32 s9, $0xF7A;
	s5 =	simm.s32 @!p2 $0x0  }
0x1d: {  	s5 =	simm.s32 @p1 $0x1;
	p0 =	seq.s32 s7, s2  }
0x1e: {  	s7 =	smul.u32 @!p0 $0xF7A, s2;
	p2 =	seq.s32 @!p0 s5, $0x0  }
0x1f: {  	s9 =	smul.u32 $0xF7A, s1;
	s8 =	simm.s32 @!p0 $0x1BF5;
	p2 =	por !p2, p0  }
0x20: {  	[sflag:s8] =	ssyncset.s32 @!p0 $0xFFFFF086;
	s6 =	sadd.s32 @!p0 s3, s7;
	s7 =	simm.s32 @!p0 $0x108  }
0x21: {  	s3 =	sadd.s32 s3, s9;
	s6 =	sadd.s32 @!p0 $0x88, s6;
	s7 =	simm.s32 @p2 $0x1082  }
0x22: {  	[simem:s7], [sflag:s8] =	dma.local @!p0 [hbm:s6], $0xF7A  }
0x23: {  	s9 =	sor.u32 $0xD0000000, s2;
	s6 =	simm.s32 $0x108;
	_ =	swait.ge @!p0 [sflag:s8], $0x0  }
0x24: {  	s3 =	sadd.s32 $0x88, s3;
	s6 =	simm.s32 @!p1 $0x1082;
	[sflag:s4] =	ssyncset.s32 $0xFFFFF086  }
0x25: {  	[simem:s6], [sflag:s4] =	dma.local [hbm:s3], $0xF7A  }
0x26: {  	[smem:$0x3F9D] =	sst s1;
	(tag) =	ssettag s2;
	_ =	strace s9  }
0x27: {  	s1 =	sld [smem:$0x3FAD]  }
0x28: {  	s2 =	sld [smem:$0x3FAE]  }
0x29: {  	s4 =	sld [smem:$0x3FB0]  }
0x2a: {  	p0 =	seq.s32 s5, $0x0;
	s5 =	sld [smem:$0x3FB1]  }
0x2b: {  	s6 =	sld [smem:$0x3FB2]  }
0x2c: {  	s7 =	sld [smem:$0x3FB3]  }
0x2d: {  	s3 =	simm.s32 $0x108;
	s8 =	sld [smem:$0x3FB4]  }
0x2e: {  	s3 =	simm.s32 @!p0 $0x1082;
	s9 =	sld [smem:$0x3FB5]  }
0x2f: {  	lr =	sadd.s32 s0, s3;
	s0 =	sld [smem:$0x3FAC]  }
0x30: {  	s3 =	sld [smem:$0x3FAF]  }
0x31: {  	[smem:$0x3FB8] =	sst s10  }
0x32: {  	s10 =	sld [smem:$0x3FB6];
	_ =	sdelay $0x3  }
0x33: {  	p0 =	seq.s32 s10, $0x1;
	s10 =	sld [smem:$0x3FB8];
	_ =	sdelay $0x3  }
0x34: {  	[smem:$0x3FB8] =	sst s10  }
0x35: {  	s10 =	sld [smem:$0x3FB7];
	_ =	sdelay $0x3  }
0x36: {  	p1 =	seq.s32 s10, $0x1;
	s10 =	sld [smem:$0x3FB8];
	_ =	sdelay $0x3  }
0x37: {  	[smem:$0x3FB8] =	sst s10  }
0x38: {  	s10 =	sld [smem:$0x3FB9]  }
0x39: {  	_ = 	snop;
	(pc) =	sbr.ind lr, $3  }
0x3a: {  	_ = 	snop  }
0x3b: {  	_ = 	snop  }
0x3c: {  	p2 =	seq.s32 s10, $0x1;
	s10 =	sld [smem:$0x3FB8]  }
0x3d: {  	_ =	shalt  }
0x3e: {  	_ =	shalt  }
0x3f: {  	_ =	shalt  }
0x40: {  	_ =	shalt  }
0x41: {  	_ =	shalt  }
0x42: {  	_ =	shalt  }
0x43: {  	_ =	shalt  }
0x44: {  	_ =	shalt  }
0x45: {  	_ =	shalt  }
0x46: {  	_ =	shalt  }
0x47: {  	_ =	shalt  }
0x48: {  	_ =	shalt  }
0x49: {  	_ =	shalt  }
0x4a: {  	_ =	shalt  }
0x4b: {  	_ =	shalt  }
0x4c: {  	_ =	shalt  }
0x4d: {  	_ =	shalt  }
0x4e: {  	_ =	shalt  }
0x4f: {  	_ =	shalt  }
0x50: {  	_ =	shalt  }
0x51: {  	_ =	shalt  }
0x52: {  	_ =	shalt  }
0x53: {  	_ =	shalt  }
0x54: {  	_ =	shalt  }
0x55: {  	_ =	shalt  }
0x56: {  	_ =	shalt  }
0x57: {  	_ =	shalt  }
0x58: {  	_ =	shalt  }
0x59: {  	_ =	shalt  }
0x5a: {  	_ =	shalt  }
0x5b: {  	_ =	shalt  }
0x5c: {  	_ =	shalt  }
0x5d: {  	_ =	shalt  }
0x5e: {  	_ =	shalt  }
0x5f: {  	_ =	shalt  }
0x60: {  	_ =	shalt  }
0x61: {  	_ =	shalt  }
0x62: {  	_ =	shalt  }
0x63: {  	_ =	shalt  }
0x64: {  	_ =	shalt  }
0x65: {  	_ =	shalt  }
0x66: {  	_ =	shalt  }
0x67: {  	_ =	shalt  }
0x68: {  	_ =	shalt  }
0x69: {  	_ =	shalt  }
0x6a: {  	_ =	shalt  }
0x6b: {  	_ =	shalt  }
0x6c: {  	_ =	shalt  }
0x6d: {  	_ =	shalt  }
0x6e: {  	_ =	shalt  }
0x6f: {  	_ =	shalt  }
0x70: {  	_ =	shalt  }
0x71: {  	_ =	shalt  }
0x72: {  	_ =	shalt  }
0x73: {  	_ =	shalt  }
0x74: {  	_ =	shalt  }
0x75: {  	_ =	shalt  }
0x76: {  	_ =	shalt  }
0x77: {  	_ =	shalt  }
0x78: {  	_ =	shalt  }
0x79: {  	_ =	shalt  }
0x7a: {  	_ =	shalt  }
0x7b: {  	_ =	shalt  }
0x7c: {  	_ =	shalt  }
0x7d: {  	_ =	shalt  }
0x7e: {  	_ =	shalt  }
0x7f: {  	_ =	shalt  }
0x80: {  	_ =	shalt  }
0x81: {  	_ =	shalt  }
0x82: {  	_ =	shalt  }
0x83: {  	_ =	shalt  }
0x84: {  	_ =	shalt  }
0x85: {  	_ =	shalt  }
0x86: {  	_ =	shalt  }
0x87: {  	_ =	shalt  }
.Lfunc_end0:
.L_simem_size_0:
called_computation_lowered:
.L_overlay_start_0:
0x88: {  	s2 =	sld [smem:$0x3FD9]  }
0x89: {  	s3 =	sld [smem:$0x3FFE];
	_ =	sdelay $0x1  }
0x8a: {  	s1 =	srdreg.scid  }
0x8b: {  	s0 =	sand.u32 $0x1, s1  }
0x8c: {  	s15 =	sshll.u32 s0, $0xA;
	s2 =	sadd.s32 s3, s2  }
0x8d: {  	s2 =	sadd.s32 s2, s15  }
0x8e: {  	[smem:$0x3FC4] =	sst s2  }
0x8f: {  	_ = 	snop  }
0x90: {  	s2 =	sld [smem:$0x3FD0];
	_ =	sdelay $0x1  }
0x91: {  	s16 =	sld [smem:$0x3FC9]  }
0x92: {  	s5 =	simm.s32 $0xA;
	s6 =	simm.s32 $0x10;
	s4 =	sld [smem:$0x3FC6]  }
0x93: {  	[smem:s6], [sflag:s5] =	dma.local [hbm:s2], $0x1  }
0x94: {  	_ =	swait.eq [sflag:s5], $0x1  }
0x95: {  	[sflag:s5] =	ssyncset.done $0x0  }
0x96: {  	s17 =	sld [smem:$0x10];
	[sflag:s5] =	ssyncadd.s32 $0xFFFFFFFF  }
0x97: {  	s18 =	sld [smem:$0x12];
	(tm) =	ssettm $0x1  }
0x98: {  	s19 =	sld [smem:$0x3FFB];
	_ =	sdelay $0x3  }
0x99: {  	_ =	strace s19  }
0x9a: {  	s6 =	sld [smem:$0x3FFC];
	_ =	sdelay $0x3  }
0x9b: {  	_ =	strace s6  }
0x9c: {  	s6 =	sld [smem:$0x3FFD];
	_ =	sdelay $0x3  }
0x9d: {  	_ =	strace s6  }
0x9e: {  	_ =	strace $0x8FFFFFFF  }
0x9f: {  	s20 =	sld [smem:$0x3FDB];
	_ =	sdelay $0x1  }
0xa0: {  	s7 =	simm.s32 $_scs_section_size  }
0xa1: {  	s8 =	simm.s32 $_size__tile_overlayer_lowered;
	s9 =	simm.s32 $_tile_overlayer_lowered  }
0xa2: {  	s23 =	simm.s32 $0x1BFF;
	s22 =	sshll.u32 s9, $0x1;
	s6 =	sadd.s32 s7, s20  }
0xa3: {  	s10 =	simm.s32 $0x0;
	s21 =	sshll.u32 s8, $0x1;
	s8 =	sadd.s32 s22, s6  }
0xa4: {  	[timem:s10], [sflag:s23] =	dma.local [hbm:s8], s21  }
0xa5: {  	_ =	swait.ge [sflag:s23], s21  }
0xa6: {  	s7 =	ssub.s32 $0x0, s21;
	[sflag:s23] =	ssyncset.done $0x0  }
0xa7: {  	[sflag:s23] =	ssyncadd.s32 s7;
	_ =	sdelay $0x1  }
0xa8: {  	s24 =	simm.s32 $0x1B8B  }
0xa9: {  	_ =	swait.ge [sflag:s24], $0x1  }
0xaa: {  	[sflag:s24] =	ssyncset.done $0x0  }
0xab: {  	s25 =	simm.s32 $0x1B8E;
	[sflag:s24] =	ssyncadd.s32 $0xFFFFFFFF  }
0xac: {  	s26 =	simm.s32 $execute0_lowered;
	[smem:$0x3FD2] =	sst s25  }
0xad: {  	s7 =	sshll.u32 s26, $0x1;
	_ =	strace $0x80000046;
	[dreg:$0x1] =	wrdreg $0xFFFFFFFF  }
0xae: {  	s28 =	simm.s32 $_size_execute0_lowered;
	s6 =	sadd.s32 s6, s7;
	[dreg:$0x0] =	wrdreg $0x0  }
0xaf: {  	s7 =	sshll.u32 s28, $0x1;
	[dreg:$0x2] =	wrdreg s6  }
0xb0: {  	[dreg:$0x3] =	wrdreg s7  }
0xb1: {  	[dreg:$0x4] =	wrdreg $0xC0  }
0xb2: {  	_ =	task [dreg:s10], $0x5FFFF  }
0xb3: {  	[dreg:$0x1] =	wrdreg $0xFFFFFFFF  }
0xb4: {  	[dreg:$0x0] =	wrdreg $0x60  }
0xb5: {  	[dreg:$0x2] =	wrdreg s4  }
0xb6: {  	[dreg:$0x3] =	wrdreg s16  }
0xb7: {  	[dreg:$0x4] =	wrdreg s17  }
0xb8: {  	[dreg:$0x5] =	wrdreg s18  }
0xb9: {  	[dreg:$0x6] =	wrdreg $0x9  }
0xba: {  	_ =	task.clear_ibuf [dreg:s10], $0x7FFFF;
	_ =	strace $0x90000046  }
0xbb: {  	s29 =	simm.s32 $0x9;
	_ =	strace $0x80000048  }
0xbc: {  	_ =	swait.ge [sflag:s29], $0x1  }
0xbd: {  	[sflag:s29] =	ssyncadd.s32 $0xFFFFFFFF  }
0xbe: {  	_ =	strace $0x90000048  }
0xbf: {  	_ =	sfence  }
0xc0: {  	s30 =	sld [smem:$0x0];
	_ =	sdelay $0x2  }
0xc1: {  	s31 =	sshll.u32 s1, $0xD;
	s1 =	sshrl.u32 s1, $0x2  }
0xc2: {  	s3 =	sand.u32 $0x4000, s31;
	s1 =	sadd.s32 s1, s30  }
0xc3: {  	s0 =	sor.u32 s3, s0;
	s1 =	sshll.u32 s1, $0x11  }
0xc4: {  	s0 =	sor.u32 s1, s0  }
0xc5: {  	s0 =	sadd.s32 $0x8F2B, s0  }
0xc6: {  	[sflag:s0] =	ssyncadd.remote.s32 $0x1  }
0xc7: {  	_ =	sfence.sel $0xFFFF  }
0xc8: {  	[dreg:$0x0] =	wrdreg $0xFFFFFFFF;
	(pc) =	sbr.abs _section_cstart, $3  }
0xc9: {  	[dreg:$0x1] =	wrdreg $0xFFFFFFFF  }
0xca: {  	_ =	task.clear_ibuf [dreg:s10], $0x2FFFF;
	_ =	strace $0x9FFFFFFF  }
0xcb: {  	(tm) =	ssettm $0x7FFFFFFF  }
tec
execute0_lowered:
.L_overlay_start_1:
0x0: {  	(tag) =	ssettag $0x1  }
0x1: {  	s1 =	rddreg [dreg:$0x0]  }
0x2: {  	s0 =	rddreg [dreg:$0x1]  }
0x3: {  	s2 =	rddreg [dreg:$0x2];
	s7 =	stileid.u32  }
0x4: {  	s4 =	rddreg [dreg:$0x3];
	s3 =	srdreg.scid  }
0x5: {  	s29 =	simm.s32 $0x8200;
	s16 =	simm.s32 $0x11200;
	s28 =	simm.s32 $0x13A00  }
0x6: {  	s30 =	simm.s32 $0x14200;
	s31 =	simm.s32 $0x14A00;
	s11 =	simm.s32 $0x16200  }
0x7: {  	s12 =	simm.s32 $0x16A00;
	s13 =	simm.s32 $0x17200;
	s5 =	sshll.u32 s7, $0x1  }
0x8: {  	s14 =	simm.s32 $0x17A00;
	s6 =	sand.u32 $0x1, s3;
	s5 =	sand.u32 $0x6, s5  }
0x9: {  	s3 =	simm.s32 $0x0;
	s7 =	sshrl.u32 s7, $0x2;
	s5 =	sor.u32 s6, s5  }
0xa: {  	[smem:$0x7FF] =	sst s3;
	s9 =	sshll.u32 s7, $0x4;
	s8 =	sshll.u32 s5, $0x7  }
0xb: {  	s7 =	sshll.u32 s7, $0x12;
	s20 =	ssub.s32 $0x2, s6;
	s8 =	sor.u32 s9, s8  }
0xc: {  	_ =	strace $0x80000047;
	s5 =	sshll.u32 s5, $0xF;
	s0 =	sadd.s32 s0, s8  }
0xd: {  	s5 =	sor.u32 s7, s5;
	s17 =	sadd.s32 s4, s8;
	[dreg:$0x5] =	wrdreg s0  }
0xe: {  	s22 =	sshrl.u32 s20, $0x1;
	s7 =	sadd.s32 s2, s5;
	[dreg:$0x6] =	wrdreg s17  }
0xf: {  	s6 =	sadd.s32 $0x200, s1;
	s18 =	sadd.s32 $0x1000, s7;
	[dreg:$0xe] =	wrdreg s7  }
0x10: {  	s2 =	ssub.s32 s20, s22;
	s19 =	sadd.s32 $0x2000, s7;
	[dreg:$0x7] =	wrdreg s18  }
0x11: {  	s5 =	sadd.s32 $0x100, s1;
	s21 =	sadd.s32 $0x3000, s7;
	[dreg:$0x8] =	wrdreg s19  }
0x12: {  	s20 =	simm.s32 $0x200;
	s23 =	sadd.s32 $0x4000, s7;
	[dreg:$0x9] =	wrdreg s21  }
0x13: {  	s22 =	simm.s32 $0x2;
	s24 =	sadd.s32 $0x5000, s7;
	[dreg:$0xa] =	wrdreg s23  }
0x14: {  	s25 =	sadd.s32 $0x6000, s7;
	s26 =	sadd.s32 $0x7000, s7;
	[dreg:$0xb] =	wrdreg s24  }
0x15: {  	v2 =	vlaneseq.u32;
	s7 =	sadd.s32 $0x300, s1;
	s10 =	smax.u32 s2, $0x1;
	[dreg:$0xc] =	wrdreg s25  }
0x16: {  	vm0 =	vmmov $0xffff;
	v1 =	vshrl.u32 v2, $0x3;
	s17 =	simm.s32 $0x11A00;
	[dreg:$0xd] =	wrdreg s26;
	s18 =	simm.s32 $0x12200  }
0x17: {  	v0 =	vand.u32 $0x7, v2;
	v2 =	vor.u32 $0x8, v2;
	v1 =	vmul.u32 $0x8, v1;
	s19 =	simm.s32 $0x12A00;
	s26 =	simm.s32 $0x13200;
	s23 =	simm.s32 $0x7  }
.LBB2_1:
0x18: {  	s2 =	rddreg [dreg:$0x5];
	s0 =	simm.s32 $0x80;
	s21 =	simm.s32 $0xB  }
0x19: {  	[tilespmem:s3], [sflag:$0xB] =	stream.strided.gather [hbm4b:s2+s0], $0x100, s20, s0, $0x38;
	[tilespmem:$0x18200] =	vst v63  }
0x1a: {  	_ =	swait.ge [sflag:s21], $0x100  }
0x1b: {  	[sflag:s21] =	ssyncset.done $0x0  }
0x1c: {  	[sflag:s21] =	ssyncadd.s32 $0xFFFFFF00  }
0x1d: {  	v3 =	vld [tilespmem:$0x0]  }
0x1e: {  	v4 =	vld [tilespmem:$0x10]  }
0x1f: {  	v5 =	vld [tilespmem:$0x20]  }
0x20: {  	v6 =	vld [tilespmem:$0x30]  }
0x21: {  	v7 =	vld [tilespmem:$0x40]  }
0x22: {  	v8 =	vld [tilespmem:$0x50];
	vm1 =	vgt.s32 v3, $0x0  }
0x23: {  	v9 =	vld [tilespmem:$0x60];
	v3 =	vnsel vm1, $0x0, v3;
	vm1 =	vgt.s32 v4, $0x0  }
0x24: {  	v10 =	vld [tilespmem:$0x70];
	v3 =	vmin.u32 v3, $0x1869F;
	v4 =	vnsel vm1, $0x0, v4;
	vm1 =	vgt.s32 v5, $0x0  }
0x25: {  	v28 =	vld [tilespmem:$0x80];
	[tilespmem:$0x100] =	vst v3;
	v3 =	vmin.u32 v4, $0x1869F;
	v27 =	vnsel vm1, $0x0, v5;
	vm1 =	vgt.s32 v6, $0x0  }
0x26: {  	v30 =	vld [tilespmem:$0x90];
	[tilespmem:$0x110] =	vst v3;
	v3 =	vmin.u32 v27, $0x1869F;
	v29 =	vnsel vm1, $0x0, v6;
	vm1 =	vgt.s32 v7, $0x0  }
0x27: {  	v32 =	vld [tilespmem:$0xA0];
	[tilespmem:$0x120] =	vst v3;
	v3 =	vmin.u32 v29, $0x1869F;
	v31 =	vnsel vm1, $0x0, v7;
	vm1 =	vgt.s32 v8, $0x0  }
0x28: {  	v34 =	vld [tilespmem:$0xB0];
	[tilespmem:$0x130] =	vst v3;
	v3 =	vmin.u32 v31, $0x1869F;
	v33 =	vnsel vm1, $0x0, v8;
	vm1 =	vgt.s32 v9, $0x0  }
0x29: {  	v36 =	vld [tilespmem:$0xC0];
	[tilespmem:$0x140] =	vst v3;
	v3 =	vmin.u32 v33, $0x1869F;
	v35 =	vnsel vm1, $0x0, v9;
	vm1 =	vgt.s32 v10, $0x0  }
0x2a: {  	v38 =	vld [tilespmem:$0xD0];
	[tilespmem:$0x150] =	vst v3;
	v3 =	vmin.u32 v35, $0x1869F;
	v37 =	vnsel vm1, $0x0, v10;
	vm1 =	vgt.s32 v28, $0x0  }
0x2b: {  	v40 =	vld [tilespmem:$0xE0];
	[tilespmem:$0x160] =	vst v3;
	v3 =	vmin.u32 v37, $0x1869F;
	v39 =	vnsel vm1, $0x0, v28;
	vm1 =	vgt.s32 v30, $0x0  }
0x2c: {  	v42 =	vld [tilespmem:$0xF0];
	[tilespmem:$0x170] =	vst v3;
	v3 =	vmin.u32 v39, $0x1869F;
	v41 =	vnsel vm1, $0x0, v30;
	vm1 =	vgt.s32 v32, $0x0  }
0x2d: {  	[tilespmem:$0x180] =	vst v3;
	v3 =	vmin.u32 v41, $0x1869F;
	v43 =	vnsel vm1, $0x0, v32;
	vm1 =	vgt.s32 v34, $0x0  }
0x2e: {  	[tilespmem:$0x190] =	vst v3;
	v3 =	vmin.u32 v43, $0x1869F;
	v44 =	vnsel vm1, $0x0, v34;
	vm1 =	vgt.s32 v36, $0x0  }
0x2f: {  	[tilespmem:$0x1A0] =	vst v3;
	v3 =	vmin.u32 v44, $0x1869F;
	v45 =	vnsel vm1, $0x0, v36;
	vm1 =	vgt.s32 v38, $0x0  }
0x30: {  	[tilespmem:$0x1B0] =	vst v3;
	v3 =	vmin.u32 v45, $0x1869F;
	v46 =	vnsel vm1, $0x0, v38;
	vm1 =	vgt.s32 v40, $0x0  }
0x31: {  	[tilespmem:$0x1C0] =	vst v3;
	v3 =	vmin.u32 v46, $0x1869F;
	v47 =	vnsel vm1, $0x0, v40;
	vm1 =	vgt.s32 v42, $0x0  }
0x32: {  	[tilespmem:$0x1D0] =	vst v3;
	v3 =	vnsel vm1, $0x0, v42;
	v4 =	vmin.u32 v47, $0x1869F  }
0x33: {  	[tilespmem:$0x1E0] =	vst v4;
	v3 =	vmin.u32 v3, $0x1869F  }
0x34: {  	s24 =	rddreg [dreg:$0x6];
	[tilespmem:$0x1F0] =	vst v3  }
0x35: {  	[hbm4b:s24+s0] =	stream.strided.scatter [tilespmem:s3], [sflag:$0xA], $0x100, s20, s0, $0x38;
	[tilespmem:$0x18200] =	vst v63  }
0x36: {  	v3 =	vld [tilespmem:$0x100];
	_ =	sdelay $0x4  }
0x37: {  	v48 =	vshll.u32 v3, $0x3  }
0x38: {  	v3 =	vand.u32 $0x7, v3;
	v4 =	vand.u32 $0xFFFFFFC0, v48  }
0x39: {  	v3 =	vor.u32 v3, v4  }
0x3a: {  	v4 =	vperm.xlane v3, v0;
	_ =	sdelay $0x1  }
0x3b: {  	v4 =	vadd.s32 v1, v4;
	_ =	sdelay $0x4  }
0x3c: {  	[tilespmem:s20], [sflag:$0x1] =	stream.indirect_vreg.gather [hbm4b:s1+s3], $0x80, v4, vm0, $0xb8;
	[tilespmem:$0x18200] =	vst v63  }
0x3d: {  	s25 =	simm.s32 $0xA00;
	v3 =	vperm.xlane v3, v2  }
0x3e: {  	[tilespmem:s25], [sflag:$0x1] =	stream.indirect_vreg.gather [hbm4b:s5+s3], $0x80, v4, vm0, $0xb8;
	[tilespmem:$0x18200] =	vst v63  }
0x3f: {  	s2 =	simm.s32 $0x1200;
	v3 =	vadd.s32 v1, v3  }
0x40: {  	[tilespmem:s2], [sflag:$0x1] =	stream.indirect_vreg.gather [hbm4b:s6+s3], $0x80, v4, vm0, $0xb8;
	[tilespmem:$0x18200] =	vst v63  }
0x41: {  	s8 =	simm.s32 $0x1A00  }
0x42: {  	[tilespmem:s8], [sflag:$0x1] =	stream.indirect_vreg.gather [hbm4b:s7+s3], $0x80, v4, vm0, $0xb8;
	[tilespmem:$0x18200] =	vst v63  }
0x43: {  	s9 =	simm.s32 $0x2200  }
0x44: {  	[tilespmem:s9], [sflag:$0x1] =	stream.indirect_vreg.gather [hbm4b:s1+s3], $0x80, v3, vm0, $0xb8;
	[tilespmem:$0x18200] =	vst v63  }
0x45: {  	s15 =	simm.s32 $0x2A00  }
0x46: {  	[tilespmem:s15], [sflag:$0x1] =	stream.indirect_vreg.gather [hbm4b:s5+s3], $0x80, v3, vm0, $0xb8;
	[tilespmem:$0x18200] =	vst v63  }
0x47: {  	s2 =	simm.s32 $0x3200  }
0x48: {  	[tilespmem:s2], [sflag:$0x1] =	stream.indirect_vreg.gather [hbm4b:s6+s3], $0x80, v3, vm0, $0xb8;
	[tilespmem:$0x18200] =	vst v63  }
0x49: {  	s8 =	simm.s32 $0x3A00  }
0x4a: {  	[tilespmem:s8], [sflag:$0x1] =	stream.indirect_vreg.gather [hbm4b:s7+s3], $0x80, v3, vm0, $0xb8;
	[tilespmem:$0x18200] =	vst v63  }
0x4b: {  	v3 =	vld [tilespmem:$0x110];
	_ =	sdelay $0x4  }
0x4c: {  	v49 =	vshll.u32 v3, $0x3  }
0x4d: {  	v3 =	vand.u32 $0x7, v3;
	v4 =	vand.u32 $0xFFFFFFC0, v49  }
0x4e: {  	v3 =	vor.u32 v3, v4  }
0x4f: {  	v4 =	vperm.xlane v3, v0;
	_ =	sdelay $0x1  }
0x50: {  	v4 =	vadd.s32 v1, v4;
	_ =	sdelay $0x3  }
0x51: {  	s2 =	simm.s32 $0x4200  }
0x52: {  	[tilespmem:s2], [sflag:$0x2] =	stream.indirect_vreg.gather [hbm4b:s1+s3], $0x80, v4, vm0, $0xb8;
	[tilespmem:$0x18200] =	vst v63  }
0x53: {  	v3 =	vperm.xlane v3, v2;
	s2 =	simm.s32 $0x4A00  }
0x54: {  	[tilespmem:s2], [sflag:$0x2] =	stream.indirect_vreg.gather [hbm4b:s5+s3], $0x80, v4, vm0, $0xb8;
	[tilespmem:$0x18200] =	vst v63  }
0x55: {  	v3 =	vadd.s32 v1, v3;
	s2 =	simm.s32 $0x5200  }
0x56: {  	[tilespmem:s2], [sflag:$0x2] =	stream.indirect_vreg.gather [hbm4b:s6+s3], $0x80, v4, vm0, $0xb8;
	[tilespmem:$0x18200] =	vst v63  }
0x57: {  	s2 =	simm.s32 $0x5A00  }
0x58: {  	[tilespmem:s2], [sflag:$0x2] =	stream.indirect_vreg.gather [hbm4b:s7+s3], $0x80, v4, vm0, $0xb8;
	[tilespmem:$0x18200] =	vst v63  }
0x59: {  	s2 =	simm.s32 $0x6200  }
0x5a: {  	[tilespmem:s2], [sflag:$0x2] =	stream.indirect_vreg.gather [hbm4b:s1+s3], $0x80, v3, vm0, $0xb8;
	[tilespmem:$0x18200] =	vst v63  }
0x5b: {  	s2 =	simm.s32 $0x6A00  }
0x5c: {  	[tilespmem:s2], [sflag:$0x2] =	stream.indirect_vreg.gather [hbm4b:s5+s3], $0x80, v3, vm0, $0xb8;
	[tilespmem:$0x18200] =	vst v63  }
0x5d: {  	s2 =	simm.s32 $0x7200  }
0x5e: {  	[tilespmem:s2], [sflag:$0x2] =	stream.indirect_vreg.gather [hbm4b:s6+s3], $0x80, v3, vm0, $0xb8;
	[tilespmem:$0x18200] =	vst v63  }
0x5f: {  	s2 =	simm.s32 $0x7A00  }
0x60: {  	[tilespmem:s2], [sflag:$0x2] =	stream.indirect_vreg.gather [hbm4b:s7+s3], $0x80, v3, vm0, $0xb8;
	[tilespmem:$0x18200] =	vst v63  }
0x61: {  	v3 =	vld [tilespmem:$0x120];
	_ =	sdelay $0x4  }
0x62: {  	v50 =	vshll.u32 v3, $0x3  }
0x63: {  	v3 =	vand.u32 $0x7, v3;
	v4 =	vand.u32 $0xFFFFFFC0, v50  }
0x64: {  	v3 =	vor.u32 v3, v4  }
0x65: {  	v4 =	vperm.xlane v3, v0;
	_ =	sdelay $0x1  }
0x66: {  	v4 =	vadd.s32 v1, v4;
	_ =	sdelay $0x4  }
0x67: {  	[tilespmem:s29], [sflag:$0x3] =	stream.indirect_vreg.gather [hbm4b:s1+s3], $0x80, v4, vm0, $0xb8;
	[tilespmem:$0x18200] =	vst v63  }
0x68: {  	s2 =	simm.s32 $0x8A00;
	v3 =	vperm.xlane v3, v2  }
0x69: {  	[tilespmem:s2], [sflag:$0x3] =	stream.indirect_vreg.gather [hbm4b:s5+s3], $0x80, v4, vm0, $0xb8;
	[tilespmem:$0x18200] =	vst v63  }
0x6a: {  	v3 =	vadd.s32 v1, v3;
	s2 =	simm.s32 $0x9200  }
0x6b: {  	[tilespmem:s2], [sflag:$0x3] =	stream.indirect_vreg.gather [hbm4b:s6+s3], $0x80, v4, vm0, $0xb8;
	[tilespmem:$0x18200] =	vst v63  }
0x6c: {  	s2 =	simm.s32 $0x9A00  }
0x6d: {  	[tilespmem:s2], [sflag:$0x3] =	stream.indirect_vreg.gather [hbm4b:s7+s3], $0x80, v4, vm0, $0xb8;
	[tilespmem:$0x18200] =	vst v63  }
0x6e: {  	s2 =	simm.s32 $0xA200  }
0x6f: {  	[tilespmem:s2], [sflag:$0x3] =	stream.indirect_vreg.gather [hbm4b:s1+s3], $0x80, v3, vm0, $0xb8;
	[tilespmem:$0x18200] =	vst v63  }
0x70: {  	s2 =	simm.s32 $0xAA00  }
0x71: {  	[tilespmem:s2], [sflag:$0x3] =	stream.indirect_vreg.gather [hbm4b:s5+s3], $0x80, v3, vm0, $0xb8;
	[tilespmem:$0x18200] =	vst v63  }
0x72: {  	s2 =	simm.s32 $0xB200  }
0x73: {  	[tilespmem:s2], [sflag:$0x3] =	stream.indirect_vreg.gather [hbm4b:s6+s3], $0x80, v3, vm0, $0xb8;
	[tilespmem:$0x18200] =	vst v63  }
0x74: {  	s2 =	simm.s32 $0xBA00  }
0x75: {  	[tilespmem:s2], [sflag:$0x3] =	stream.indirect_vreg.gather [hbm4b:s7+s3], $0x80, v3, vm0, $0xb8;
	[tilespmem:$0x18200] =	vst v63  }
0x76: {  	v3 =	vld [tilespmem:$0x130];
	_ =	sdelay $0x4  }
0x77: {  	v51 =	vshll.u32 v3, $0x3  }
0x78: {  	v3 =	vand.u32 $0x7, v3;
	v4 =	vand.u32 $0xFFFFFFC0, v51  }
0x79: {  	v3 =	vor.u32 v3, v4  }
0x7a: {  	v4 =	vperm.xlane v3, v0;
	_ =	sdelay $0x1  }
0x7b: {  	v4 =	vadd.s32 v1, v4;
	_ =	sdelay $0x3  }
0x7c: {  	s2 =	simm.s32 $0xC200  }
0x7d: {  	[tilespmem:s2], [sflag:$0x4] =	stream.indirect_vreg.gather [hbm4b:s1+s3], $0x80, v4, vm0, $0xb8;
	[tilespmem:$0x18200] =	vst v63  }
0x7e: {  	v3 =	vperm.xlane v3, v2;
	s2 =	simm.s32 $0xCA00  }
0x7f: {  	[tilespmem:s2], [sflag:$0x4] =	stream.indirect_vreg.gather [hbm4b:s5+s3], $0x80, v4, vm0, $0xb8;
	[tilespmem:$0x18200] =	vst v63  }
0x80: {  	v3 =	vadd.s32 v1, v3;
	s2 =	simm.s32 $0xD200  }
0x81: {  	[tilespmem:s2], [sflag:$0x4] =	stream.indirect_vreg.gather [hbm4b:s6+s3], $0x80, v4, vm0, $0xb8;
	[tilespmem:$0x18200] =	vst v63  }
0x82: {  	s2 =	simm.s32 $0xDA00  }
0x83: {  	[tilespmem:s2], [sflag:$0x4] =	stream.indirect_vreg.gather [hbm4b:s7+s3], $0x80, v4, vm0, $0xb8;
	[tilespmem:$0x18200] =	vst v63  }
0x84: {  	s2 =	simm.s32 $0xE200  }
0x85: {  	[tilespmem:s2], [sflag:$0x4] =	stream.indirect_vreg.gather [hbm4b:s1+s3], $0x80, v3, vm0, $0xb8;
	[tilespmem:$0x18200] =	vst v63  }
0x86: {  	s2 =	simm.s32 $0xEA00  }
0x87: {  	[tilespmem:s2], [sflag:$0x4] =	stream.indirect_vreg.gather [hbm4b:s5+s3], $0x80, v3, vm0, $0xb8;
	[tilespmem:$0x18200] =	vst v63  }
0x88: {  	s2 =	simm.s32 $0xF200  }
0x89: {  	[tilespmem:s2], [sflag:$0x4] =	stream.indirect_vreg.gather [hbm4b:s6+s3], $0x80, v3, vm0, $0xb8;
	[tilespmem:$0x18200] =	vst v63  }
0x8a: {  	s2 =	simm.s32 $0xFA00  }
0x8b: {  	[tilespmem:s2], [sflag:$0x4] =	stream.indirect_vreg.gather [hbm4b:s7+s3], $0x80, v3, vm0, $0xb8;
	[tilespmem:$0x18200] =	vst v63  }
0x8c: {  	v3 =	vld [tilespmem:$0x140];
	_ =	sdelay $0x4  }
0x8d: {  	v52 =	vshll.u32 v3, $0x3  }
0x8e: {  	v3 =	vand.u32 $0x7, v3;
	v4 =	vand.u32 $0xFFFFFFC0, v52  }
0x8f: {  	v3 =	vor.u32 v3, v4  }
0x90: {  	v4 =	vperm.xlane v3, v0;
	_ =	sdelay $0x1  }
0x91: {  	v4 =	vadd.s32 v1, v4;
	_ =	sdelay $0x3  }
0x92: {  	s2 =	simm.s32 $0x10200  }
0x93: {  	[tilespmem:s2], [sflag:$0x5] =	stream.indirect_vreg.gather [hbm4b:s1+s3], $0x80, v4, vm0, $0xb8;
	[tilespmem:$0x18200] =	vst v63  }
0x94: {  	v3 =	vperm.xlane v3, v2;
	s2 =	simm.s32 $0x10A00  }
0x95: {  	[tilespmem:s2], [sflag:$0x5] =	stream.indirect_vreg.gather [hbm4b:s5+s3], $0x80, v4, vm0, $0xb8;
	[tilespmem:$0x18200] =	vst v63  }
0x96: {  	v3 =	vadd.s32 v1, v3  }
0x97: {  	[tilespmem:s16], [sflag:$0x5] =	stream.indirect_vreg.gather [hbm4b:s6+s3], $0x80, v4, vm0, $0xb8;
	[tilespmem:$0x18200] =	vst v63  }
0x98: {  	_ = 	snop  }
0x99: {  	[tilespmem:s17], [sflag:$0x5] =	stream.indirect_vreg.gather [hbm4b:s7+s3], $0x80, v4, vm0, $0xb8;
	[tilespmem:$0x18200] =	vst v63  }
0x9a: {  	_ = 	snop  }
0x9b: {  	[tilespmem:s18], [sflag:$0x5] =	stream.indirect_vreg.gather [hbm4b:s1+s3], $0x80, v3, vm0, $0xb8;
	[tilespmem:$0x18200] =	vst v63  }
0x9c: {  	_ = 	snop  }
0x9d: {  	[tilespmem:s19], [sflag:$0x5] =	stream.indirect_vreg.gather [hbm4b:s5+s3], $0x80, v3, vm0, $0xb8;
	[tilespmem:$0x18200] =	vst v63  }
0x9e: {  	_ = 	snop  }
0x9f: {  	[tilespmem:s26], [sflag:$0x5] =	stream.indirect_vreg.gather [hbm4b:s6+s3], $0x80, v3, vm0, $0xb8;
	[tilespmem:$0x18200] =	vst v63  }
0xa0: {  	s0 =	simm.s32 $0x1  }
0xa1: {  	[tilespmem:s28], [sflag:$0x5] =	stream.indirect_vreg.gather [hbm4b:s7+s3], $0x80, v3, vm0, $0xb8;
	[tilespmem:$0x18200] =	vst v63  }
0xa2: {  	_ =	swait.ge [sflag:s0], $0x4000  }
0xa3: {  	[sflag:s0] =	ssyncset.done $0x0  }
0xa4: {  	[sflag:s0] =	ssyncadd.s32 $0xFFFFC000  }
0xa5: {  	v3 =	vld [tilespmem:$0x150];
	_ =	sdelay $0x4  }
0xa6: {  	v53 =	vshll.u32 v3, $0x3  }
0xa7: {  	v3 =	vand.u32 $0x7, v3;
	v4 =	vand.u32 $0xFFFFFFC0, v53  }
0xa8: {  	v3 =	vor.u32 v3, v4  }
0xa9: {  	v4 =	vperm.xlane v3, v0;
	_ =	sdelay $0x1  }
0xaa: {  	v4 =	vadd.s32 v1, v4;
	_ =	sdelay $0x4  }
0xab: {  	[tilespmem:s30], [sflag:$0x6] =	stream.indirect_vreg.gather [hbm4b:s1+s3], $0x80, v4, vm0, $0xb8;
	[tilespmem:$0x18200] =	vst v63  }
0xac: {  	v3 =	vperm.xlane v3, v2  }
0xad: {  	[tilespmem:s31], [sflag:$0x6] =	stream.indirect_vreg.gather [hbm4b:s5+s3], $0x80, v4, vm0, $0xb8;
	[tilespmem:$0x18200] =	vst v63  }
0xae: {  	s2 =	simm.s32 $0x15200;
	v3 =	vadd.s32 v1, v3  }
0xaf: {  	[tilespmem:s2], [sflag:$0x6] =	stream.indirect_vreg.gather [hbm4b:s6+s3], $0x80, v4, vm0, $0xb8;
	[tilespmem:$0x18200] =	vst v63  }
0xb0: {  	s2 =	simm.s32 $0x15A00  }
0xb1: {  	[tilespmem:s2], [sflag:$0x6] =	stream.indirect_vreg.gather [hbm4b:s7+s3], $0x80, v4, vm0, $0xb8;
	[tilespmem:$0x18200] =	vst v63  }
0xb2: {  	_ = 	snop  }
0xb3: {  	[tilespmem:s11], [sflag:$0x6] =	stream.indirect_vreg.gather [hbm4b:s1+s3], $0x80, v3, vm0, $0xb8;
	[tilespmem:$0x18200] =	vst v63  }
0xb4: {  	_ = 	snop  }
0xb5: {  	[tilespmem:s12], [sflag:$0x6] =	stream.indirect_vreg.gather [hbm4b:s5+s3], $0x80, v3, vm0, $0xb8;
	[tilespmem:$0x18200] =	vst v63  }
0xb6: {  	_ = 	snop  }
0xb7: {  	[tilespmem:s13], [sflag:$0x6] =	stream.indirect_vreg.gather [hbm4b:s6+s3], $0x80, v3, vm0, $0xb8;
	[tilespmem:$0x18200] =	vst v63  }
0xb8: {  	_ = 	snop  }
0xb9: {  	[tilespmem:s14], [sflag:$0x6] =	stream.indirect_vreg.gather [hbm4b:s7+s3], $0x80, v3, vm0, $0xb8;
	[tilespmem:$0x18200] =	vst v63  }
0xba: {  	_ =	swait.ge [sflag:s22], $0x4000  }
0xbb: {  	[sflag:s22] =	ssyncset.done $0x0  }
0xbc: {  	s2 =	rddreg [dreg:$0xe];
	[sflag:s22] =	ssyncadd.s32 $0xFFFFC000  }
0xbd: {  	[hbm4b:s2+s3] =	stream.linear.scatter [tilespmem:s20], [sflag:$0x7], $0x8000, $0x38;
	[tilespmem:$0x18200] =	vst v63  }
0xbe: {  	_ =	swait.ge [sflag:s23], $0x8000  }
0xbf: {  	[sflag:s23] =	ssyncset.done $0x0  }
0xc0: {  	[sflag:s23] =	ssyncadd.s32 $0xFFFF8000  }
0xc1: {  	v3 =	vld [tilespmem:$0x160];
	_ =	sdelay $0x4  }
0xc2: {  	v54 =	vshll.u32 v3, $0x3  }
0xc3: {  	v3 =	vand.u32 $0x7, v3;
	v4 =	vand.u32 $0xFFFFFFC0, v54  }
0xc4: {  	v3 =	vor.u32 v3, v4  }
0xc5: {  	v4 =	vperm.xlane v3, v0;
	_ =	sdelay $0x1  }
0xc6: {  	v4 =	vadd.s32 v1, v4;
	_ =	sdelay $0x4  }
0xc7: {  	[tilespmem:s20], [sflag:$0x1] =	stream.indirect_vreg.gather [hbm4b:s1+s3], $0x80, v4, vm0, $0xb8;
	[tilespmem:$0x18200] =	vst v63  }
0xc8: {  	s4 =	simm.s32 $0xA00;
	v3 =	vperm.xlane v3, v2  }
0xc9: {  	[tilespmem:s4], [sflag:$0x1] =	stream.indirect_vreg.gather [hbm4b:s5+s3], $0x80, v4, vm0, $0xb8;
	[tilespmem:$0x18200] =	vst v63  }
0xca: {  	s24 =	simm.s32 $0x1200;
	v3 =	vadd.s32 v1, v3  }
0xcb: {  	[tilespmem:s24], [sflag:$0x1] =	stream.indirect_vreg.gather [hbm4b:s6+s3], $0x80, v4, vm0, $0xb8;
	[tilespmem:$0x18200] =	vst v63  }
0xcc: {  	s21 =	simm.s32 $0x1A00  }
0xcd: {  	[tilespmem:s21], [sflag:$0x1] =	stream.indirect_vreg.gather [hbm4b:s7+s3], $0x80, v4, vm0, $0xb8;
	[tilespmem:$0x18200] =	vst v63  }
0xce: {  	s25 =	simm.s32 $0x2200  }
0xcf: {  	[tilespmem:s25], [sflag:$0x1] =	stream.indirect_vreg.gather [hbm4b:s1+s3], $0x80, v3, vm0, $0xb8;
	[tilespmem:$0x18200] =	vst v63  }
0xd0: {  	s9 =	simm.s32 $0x2A00  }
0xd1: {  	[tilespmem:s9], [sflag:$0x1] =	stream.indirect_vreg.gather [hbm4b:s5+s3], $0x80, v3, vm0, $0xb8;
	[tilespmem:$0x18200] =	vst v63  }
0xd2: {  	s15 =	simm.s32 $0x3200  }
0xd3: {  	[tilespmem:s15], [sflag:$0x1] =	stream.indirect_vreg.gather [hbm4b:s6+s3], $0x80, v3, vm0, $0xb8;
	[tilespmem:$0x18200] =	vst v63  }
0xd4: {  	s8 =	simm.s32 $0x3A00;
	s24 =	simm.s32 $0x3  }
0xd5: {  	[tilespmem:s8], [sflag:$0x1] =	stream.indirect_vreg.gather [hbm4b:s7+s3], $0x80, v3, vm0, $0xb8;
	[tilespmem:$0x18200] =	vst v63  }
0xd6: {  	_ =	swait.ge [sflag:s24], $0x4000  }
0xd7: {  	[sflag:s24] =	ssyncset.done $0x0  }
0xd8: {  	[sflag:s24] =	ssyncadd.s32 $0xFFFFC000  }
0xd9: {  	v3 =	vld [tilespmem:$0x170];
	_ =	sdelay $0x4  }
0xda: {  	v55 =	vshll.u32 v3, $0x3  }
0xdb: {  	v3 =	vand.u32 $0x7, v3;
	v4 =	vand.u32 $0xFFFFFFC0, v55  }
0xdc: {  	v3 =	vor.u32 v3, v4  }
0xdd: {  	v4 =	vperm.xlane v3, v0;
	_ =	sdelay $0x1  }
0xde: {  	v4 =	vadd.s32 v1, v4;
	_ =	sdelay $0x3  }
0xdf: {  	s4 =	simm.s32 $0x4200  }
0xe0: {  	[tilespmem:s4], [sflag:$0x2] =	stream.indirect_vreg.gather [hbm4b:s1+s3], $0x80, v4, vm0, $0xb8;
	[tilespmem:$0x18200] =	vst v63  }
0xe1: {  	s8 =	simm.s32 $0x4A00;
	v3 =	vperm.xlane v3, v2  }
0xe2: {  	[tilespmem:s8], [sflag:$0x2] =	stream.indirect_vreg.gather [hbm4b:s5+s3], $0x80, v4, vm0, $0xb8;
	[tilespmem:$0x18200] =	vst v63  }
0xe3: {  	s9 =	simm.s32 $0x5200;
	v3 =	vadd.s32 v1, v3  }
0xe4: {  	[tilespmem:s9], [sflag:$0x2] =	stream.indirect_vreg.gather [hbm4b:s6+s3], $0x80, v4, vm0, $0xb8;
	[tilespmem:$0x18200] =	vst v63  }
0xe5: {  	s15 =	simm.s32 $0x5A00  }
0xe6: {  	[tilespmem:s15], [sflag:$0x2] =	stream.indirect_vreg.gather [hbm4b:s7+s3], $0x80, v4, vm0, $0xb8;
	[tilespmem:$0x18200] =	vst v63  }
0xe7: {  	s21 =	simm.s32 $0x6200  }
0xe8: {  	[tilespmem:s21], [sflag:$0x2] =	stream.indirect_vreg.gather [hbm4b:s1+s3], $0x80, v3, vm0, $0xb8;
	[tilespmem:$0x18200] =	vst v63  }
0xe9: {  	s25 =	simm.s32 $0x6A00  }
0xea: {  	[tilespmem:s25], [sflag:$0x2] =	stream.indirect_vreg.gather [hbm4b:s5+s3], $0x80, v3, vm0, $0xb8;
	[tilespmem:$0x18200] =	vst v63  }
0xeb: {  	s4 =	simm.s32 $0x7200  }
0xec: {  	[tilespmem:s4], [sflag:$0x2] =	stream.indirect_vreg.gather [hbm4b:s6+s3], $0x80, v3, vm0, $0xb8;
	[tilespmem:$0x18200] =	vst v63  }
0xed: {  	s8 =	simm.s32 $0x7A00;
	s25 =	simm.s32 $0x4  }
0xee: {  	[tilespmem:s8], [sflag:$0x2] =	stream.indirect_vreg.gather [hbm4b:s7+s3], $0x80, v3, vm0, $0xb8;
	[tilespmem:$0x18200] =	vst v63  }
0xef: {  	_ =	swait.ge [sflag:s25], $0x4000  }
0xf0: {  	[sflag:s25] =	ssyncset.done $0x0  }
0xf1: {  	s8 =	simm.s32 $0x8;
	s9 =	rddreg [dreg:$0x7];
	[sflag:s25] =	ssyncadd.s32 $0xFFFFC000  }
0xf2: {  	[hbm4b:s9+s3] =	stream.linear.scatter [tilespmem:s29], [sflag:$0x8], $0x8000, $0x38;
	[tilespmem:$0x18200] =	vst v63  }
0xf3: {  	_ =	swait.ge [sflag:s8], $0x8000  }
0xf4: {  	[sflag:s8] =	ssyncset.done $0x0  }
0xf5: {  	[sflag:s8] =	ssyncadd.s32 $0xFFFF8000  }
0xf6: {  	v3 =	vld [tilespmem:$0x180];
	_ =	sdelay $0x4  }
0xf7: {  	v56 =	vshll.u32 v3, $0x3  }
0xf8: {  	v3 =	vand.u32 $0x7, v3;
	v4 =	vand.u32 $0xFFFFFFC0, v56  }
0xf9: {  	v3 =	vor.u32 v3, v4  }
0xfa: {  	v4 =	vperm.xlane v3, v0;
	_ =	sdelay $0x1  }
0xfb: {  	v4 =	vadd.s32 v1, v4;
	_ =	sdelay $0x4  }
0xfc: {  	[tilespmem:s29], [sflag:$0x3] =	stream.indirect_vreg.gather [hbm4b:s1+s3], $0x80, v4, vm0, $0xb8;
	[tilespmem:$0x18200] =	vst v63  }
0xfd: {  	s15 =	simm.s32 $0x8A00;
	v3 =	vperm.xlane v3, v2  }
0xfe: {  	[tilespmem:s15], [sflag:$0x3] =	stream.indirect_vreg.gather [hbm4b:s5+s3], $0x80, v4, vm0, $0xb8;
	[tilespmem:$0x18200] =	vst v63  }
0xff: {  	s21 =	simm.s32 $0x9200;
	v3 =	vadd.s32 v1, v3  }
0x100: {  	[tilespmem:s21], [sflag:$0x3] =	stream.indirect_vreg.gather [hbm4b:s6+s3], $0x80, v4, vm0, $0xb8;
	[tilespmem:$0x18200] =	vst v63  }
0x101: {  	s4 =	simm.s32 $0x9A00  }
0x102: {  	[tilespmem:s4], [sflag:$0x3] =	stream.indirect_vreg.gather [hbm4b:s7+s3], $0x80, v4, vm0, $0xb8;
	[tilespmem:$0x18200] =	vst v63  }
0x103: {  	s9 =	simm.s32 $0xA200  }
0x104: {  	[tilespmem:s9], [sflag:$0x3] =	stream.indirect_vreg.gather [hbm4b:s1+s3], $0x80, v3, vm0, $0xb8;
	[tilespmem:$0x18200] =	vst v63  }
0x105: {  	s15 =	simm.s32 $0xAA00  }
0x106: {  	[tilespmem:s15], [sflag:$0x3] =	stream.indirect_vreg.gather [hbm4b:s5+s3], $0x80, v3, vm0, $0xb8;
	[tilespmem:$0x18200] =	vst v63  }
0x107: {  	s21 =	simm.s32 $0xB200  }
0x108: {  	[tilespmem:s21], [sflag:$0x3] =	stream.indirect_vreg.gather [hbm4b:s6+s3], $0x80, v3, vm0, $0xb8;
	[tilespmem:$0x18200] =	vst v63  }
0x109: {  	s4 =	simm.s32 $0xBA00;
	s15 =	simm.s32 $0x5  }
0x10a: {  	[tilespmem:s4], [sflag:$0x3] =	stream.indirect_vreg.gather [hbm4b:s7+s3], $0x80, v3, vm0, $0xb8;
	[tilespmem:$0x18200] =	vst v63  }
0x10b: {  	_ =	swait.ge [sflag:s15], $0x4000  }
0x10c: {  	[sflag:s15] =	ssyncset.done $0x0  }
0x10d: {  	[sflag:s15] =	ssyncadd.s32 $0xFFFFC000  }
0x10e: {  	v3 =	vld [tilespmem:$0x190];
	_ =	sdelay $0x4  }
0x10f: {  	v57 =	vshll.u32 v3, $0x3  }
0x110: {  	v3 =	vand.u32 $0x7, v3;
	v4 =	vand.u32 $0xFFFFFFC0, v57  }
0x111: {  	v3 =	vor.u32 v3, v4  }
0x112: {  	v4 =	vperm.xlane v3, v0;
	_ =	sdelay $0x1  }
0x113: {  	v4 =	vadd.s32 v1, v4;
	_ =	sdelay $0x3  }
0x114: {  	s9 =	simm.s32 $0xC200  }
0x115: {  	[tilespmem:s9], [sflag:$0x4] =	stream.indirect_vreg.gather [hbm4b:s1+s3], $0x80, v4, vm0, $0xb8;
	[tilespmem:$0x18200] =	vst v63  }
0x116: {  	s21 =	simm.s32 $0xCA00;
	v3 =	vperm.xlane v3, v2  }
0x117: {  	[tilespmem:s21], [sflag:$0x4] =	stream.indirect_vreg.gather [hbm4b:s5+s3], $0x80, v4, vm0, $0xb8;
	[tilespmem:$0x18200] =	vst v63  }
0x118: {  	s4 =	simm.s32 $0xD200;
	v3 =	vadd.s32 v1, v3  }
0x119: {  	[tilespmem:s4], [sflag:$0x4] =	stream.indirect_vreg.gather [hbm4b:s6+s3], $0x80, v4, vm0, $0xb8;
	[tilespmem:$0x18200] =	vst v63  }
0x11a: {  	s9 =	simm.s32 $0xDA00  }
0x11b: {  	[tilespmem:s9], [sflag:$0x4] =	stream.indirect_vreg.gather [hbm4b:s7+s3], $0x80, v4, vm0, $0xb8;
	[tilespmem:$0x18200] =	vst v63  }
0x11c: {  	s21 =	simm.s32 $0xE200  }
0x11d: {  	[tilespmem:s21], [sflag:$0x4] =	stream.indirect_vreg.gather [hbm4b:s1+s3], $0x80, v3, vm0, $0xb8;
	[tilespmem:$0x18200] =	vst v63  }
0x11e: {  	s4 =	simm.s32 $0xEA00  }
0x11f: {  	[tilespmem:s4], [sflag:$0x4] =	stream.indirect_vreg.gather [hbm4b:s5+s3], $0x80, v3, vm0, $0xb8;
	[tilespmem:$0x18200] =	vst v63  }
0x120: {  	s9 =	simm.s32 $0xF200  }
0x121: {  	[tilespmem:s9], [sflag:$0x4] =	stream.indirect_vreg.gather [hbm4b:s6+s3], $0x80, v3, vm0, $0xb8;
	[tilespmem:$0x18200] =	vst v63  }
0x122: {  	s21 =	simm.s32 $0xFA00  }
0x123: {  	[tilespmem:s21], [sflag:$0x4] =	stream.indirect_vreg.gather [hbm4b:s7+s3], $0x80, v3, vm0, $0xb8;
	[tilespmem:$0x18200] =	vst v63  }
0x124: {  	s21 =	simm.s32 $0x6  }
0x125: {  	_ =	swait.ge [sflag:s21], $0x4000  }
0x126: {  	[sflag:s21] =	ssyncset.done $0x0  }
0x127: {  	s9 =	simm.s32 $0x10200;
	s4 =	rddreg [dreg:$0x8];
	[sflag:s21] =	ssyncadd.s32 $0xFFFFC000  }
0x128: {  	[hbm4b:s4+s3] =	stream.linear.scatter [tilespmem:s9], [sflag:$0x9], $0x8000, $0x38;
	[tilespmem:$0x18200] =	vst v63  }
0x129: {  	s4 =	simm.s32 $0x9  }
0x12a: {  	_ =	swait.ge [sflag:s4], $0x8000  }
0x12b: {  	[sflag:s4] =	ssyncset.done $0x0  }
0x12c: {  	[sflag:s4] =	ssyncadd.s32 $0xFFFF8000  }
0x12d: {  	v3 =	vld [tilespmem:$0x1A0];
	_ =	sdelay $0x4  }
0x12e: {  	v58 =	vshll.u32 v3, $0x3  }
0x12f: {  	v3 =	vand.u32 $0x7, v3;
	v4 =	vand.u32 $0xFFFFFFC0, v58  }
0x130: {  	v3 =	vor.u32 v3, v4  }
0x131: {  	v4 =	vperm.xlane v3, v0;
	_ =	sdelay $0x1  }
0x132: {  	v4 =	vadd.s32 v1, v4;
	_ =	sdelay $0x4  }
0x133: {  	[tilespmem:s9], [sflag:$0x5] =	stream.indirect_vreg.gather [hbm4b:s1+s3], $0x80, v4, vm0, $0xb8;
	[tilespmem:$0x18200] =	vst v63  }
0x134: {  	s2 =	simm.s32 $0x10A00;
	v3 =	vperm.xlane v3, v2  }
0x135: {  	[tilespmem:s2], [sflag:$0x5] =	stream.indirect_vreg.gather [hbm4b:s5+s3], $0x80, v4, vm0, $0xb8;
	[tilespmem:$0x18200] =	vst v63  }
0x136: {  	v3 =	vadd.s32 v1, v3  }
0x137: {  	[tilespmem:s16], [sflag:$0x5] =	stream.indirect_vreg.gather [hbm4b:s6+s3], $0x80, v4, vm0, $0xb8;
	[tilespmem:$0x18200] =	vst v63  }
0x138: {  	_ = 	snop  }
0x139: {  	[tilespmem:s17], [sflag:$0x5] =	stream.indirect_vreg.gather [hbm4b:s7+s3], $0x80, v4, vm0, $0xb8;
	[tilespmem:$0x18200] =	vst v63  }
0x13a: {  	_ = 	snop  }
0x13b: {  	[tilespmem:s18], [sflag:$0x5] =	stream.indirect_vreg.gather [hbm4b:s1+s3], $0x80, v3, vm0, $0xb8;
	[tilespmem:$0x18200] =	vst v63  }
0x13c: {  	_ = 	snop  }
0x13d: {  	[tilespmem:s19], [sflag:$0x5] =	stream.indirect_vreg.gather [hbm4b:s5+s3], $0x80, v3, vm0, $0xb8;
	[tilespmem:$0x18200] =	vst v63  }
0x13e: {  	_ = 	snop  }
0x13f: {  	[tilespmem:s26], [sflag:$0x5] =	stream.indirect_vreg.gather [hbm4b:s6+s3], $0x80, v3, vm0, $0xb8;
	[tilespmem:$0x18200] =	vst v63  }
0x140: {  	_ = 	snop  }
0x141: {  	[tilespmem:s28], [sflag:$0x5] =	stream.indirect_vreg.gather [hbm4b:s7+s3], $0x80, v3, vm0, $0xb8;
	[tilespmem:$0x18200] =	vst v63  }
0x142: {  	_ =	swait.ge [sflag:s0], $0x4000  }
0x143: {  	[sflag:s0] =	ssyncset.done $0x0  }
0x144: {  	[sflag:s0] =	ssyncadd.s32 $0xFFFFC000  }
0x145: {  	v3 =	vld [tilespmem:$0x1B0];
	_ =	sdelay $0x4  }
0x146: {  	v59 =	vshll.u32 v3, $0x3  }
0x147: {  	v3 =	vand.u32 $0x7, v3;
	v4 =	vand.u32 $0xFFFFFFC0, v59  }
0x148: {  	v3 =	vor.u32 v3, v4  }
0x149: {  	v4 =	vperm.xlane v3, v0;
	_ =	sdelay $0x1  }
0x14a: {  	v4 =	vadd.s32 v1, v4;
	_ =	sdelay $0x4  }
0x14b: {  	[tilespmem:s30], [sflag:$0x6] =	stream.indirect_vreg.gather [hbm4b:s1+s3], $0x80, v4, vm0, $0xb8;
	[tilespmem:$0x18200] =	vst v63  }
0x14c: {  	v3 =	vperm.xlane v3, v2  }
0x14d: {  	[tilespmem:s31], [sflag:$0x6] =	stream.indirect_vreg.gather [hbm4b:s5+s3], $0x80, v4, vm0, $0xb8;
	[tilespmem:$0x18200] =	vst v63  }
0x14e: {  	s2 =	simm.s32 $0x15200;
	v3 =	vadd.s32 v1, v3  }
0x14f: {  	[tilespmem:s2], [sflag:$0x6] =	stream.indirect_vreg.gather [hbm4b:s6+s3], $0x80, v4, vm0, $0xb8;
	[tilespmem:$0x18200] =	vst v63  }
0x150: {  	s2 =	simm.s32 $0x15A00  }
0x151: {  	[tilespmem:s2], [sflag:$0x6] =	stream.indirect_vreg.gather [hbm4b:s7+s3], $0x80, v4, vm0, $0xb8;
	[tilespmem:$0x18200] =	vst v63  }
0x152: {  	_ = 	snop  }
0x153: {  	[tilespmem:s11], [sflag:$0x6] =	stream.indirect_vreg.gather [hbm4b:s1+s3], $0x80, v3, vm0, $0xb8;
	[tilespmem:$0x18200] =	vst v63  }
0x154: {  	_ = 	snop  }
0x155: {  	[tilespmem:s12], [sflag:$0x6] =	stream.indirect_vreg.gather [hbm4b:s5+s3], $0x80, v3, vm0, $0xb8;
	[tilespmem:$0x18200] =	vst v63  }
0x156: {  	_ = 	snop  }
0x157: {  	[tilespmem:s13], [sflag:$0x6] =	stream.indirect_vreg.gather [hbm4b:s6+s3], $0x80, v3, vm0, $0xb8;
	[tilespmem:$0x18200] =	vst v63  }
0x158: {  	_ = 	snop  }
0x159: {  	[tilespmem:s14], [sflag:$0x6] =	stream.indirect_vreg.gather [hbm4b:s7+s3], $0x80, v3, vm0, $0xb8;
	[tilespmem:$0x18200] =	vst v63  }
0x15a: {  	_ =	swait.ge [sflag:s22], $0x4000  }
0x15b: {  	[sflag:s22] =	ssyncset.done $0x0  }
0x15c: {  	s2 =	rddreg [dreg:$0x9];
	[sflag:s22] =	ssyncadd.s32 $0xFFFFC000  }
0x15d: {  	[hbm4b:s2+s3] =	stream.linear.scatter [tilespmem:s20], [sflag:$0x7], $0x8000, $0x38;
	[tilespmem:$0x18200] =	vst v63  }
0x15e: {  	_ =	swait.ge [sflag:s23], $0x8000  }
0x15f: {  	[sflag:s23] =	ssyncset.done $0x0  }
0x160: {  	[sflag:s23] =	ssyncadd.s32 $0xFFFF8000  }
0x161: {  	v3 =	vld [tilespmem:$0x1C0];
	_ =	sdelay $0x4  }
0x162: {  	v60 =	vshll.u32 v3, $0x3  }
0x163: {  	v3 =	vand.u32 $0x7, v3;
	v4 =	vand.u32 $0xFFFFFFC0, v60  }
0x164: {  	v3 =	vor.u32 v3, v4  }
0x165: {  	v4 =	vperm.xlane v3, v0;
	_ =	sdelay $0x1  }
0x166: {  	v4 =	vadd.s32 v1, v4;
	_ =	sdelay $0x4  }
0x167: {  	[tilespmem:s20], [sflag:$0x1] =	stream.indirect_vreg.gather [hbm4b:s1+s3], $0x80, v4, vm0, $0xb8;
	[tilespmem:$0x18200] =	vst v63  }
0x168: {  	s2 =	simm.s32 $0xA00;
	v3 =	vperm.xlane v3, v2  }
0x169: {  	[tilespmem:s2], [sflag:$0x1] =	stream.indirect_vreg.gather [hbm4b:s5+s3], $0x80, v4, vm0, $0xb8;
	[tilespmem:$0x18200] =	vst v63  }
0x16a: {  	v3 =	vadd.s32 v1, v3;
	s2 =	simm.s32 $0x1200  }
0x16b: {  	[tilespmem:s2], [sflag:$0x1] =	stream.indirect_vreg.gather [hbm4b:s6+s3], $0x80, v4, vm0, $0xb8;
	[tilespmem:$0x18200] =	vst v63  }
0x16c: {  	s2 =	simm.s32 $0x1A00  }
0x16d: {  	[tilespmem:s2], [sflag:$0x1] =	stream.indirect_vreg.gather [hbm4b:s7+s3], $0x80, v4, vm0, $0xb8;
	[tilespmem:$0x18200] =	vst v63  }
0x16e: {  	s2 =	simm.s32 $0x2200  }
0x16f: {  	[tilespmem:s2], [sflag:$0x1] =	stream.indirect_vreg.gather [hbm4b:s1+s3], $0x80, v3, vm0, $0xb8;
	[tilespmem:$0x18200] =	vst v63  }
0x170: {  	s2 =	simm.s32 $0x2A00  }
0x171: {  	[tilespmem:s2], [sflag:$0x1] =	stream.indirect_vreg.gather [hbm4b:s5+s3], $0x80, v3, vm0, $0xb8;
	[tilespmem:$0x18200] =	vst v63  }
0x172: {  	s2 =	simm.s32 $0x3200  }
0x173: {  	[tilespmem:s2], [sflag:$0x1] =	stream.indirect_vreg.gather [hbm4b:s6+s3], $0x80, v3, vm0, $0xb8;
	[tilespmem:$0x18200] =	vst v63  }
0x174: {  	s2 =	simm.s32 $0x3A00  }
0x175: {  	[tilespmem:s2], [sflag:$0x1] =	stream.indirect_vreg.gather [hbm4b:s7+s3], $0x80, v3, vm0, $0xb8;
	[tilespmem:$0x18200] =	vst v63  }
0x176: {  	_ =	swait.ge [sflag:s24], $0x4000  }
0x177: {  	[sflag:s24] =	ssyncset.done $0x0  }
0x178: {  	[sflag:s24] =	ssyncadd.s32 $0xFFFFC000  }
0x179: {  	v3 =	vld [tilespmem:$0x1D0];
	_ =	sdelay $0x4  }
0x17a: {  	v61 =	vshll.u32 v3, $0x3  }
0x17b: {  	v3 =	vand.u32 $0x7, v3;
	v4 =	vand.u32 $0xFFFFFFC0, v61  }
0x17c: {  	v3 =	vor.u32 v3, v4  }
0x17d: {  	v4 =	vperm.xlane v3, v0;
	_ =	sdelay $0x1  }
0x17e: {  	v4 =	vadd.s32 v1, v4;
	_ =	sdelay $0x3  }
0x17f: {  	s2 =	simm.s32 $0x4200  }
0x180: {  	[tilespmem:s2], [sflag:$0x2] =	stream.indirect_vreg.gather [hbm4b:s1+s3], $0x80, v4, vm0, $0xb8;
	[tilespmem:$0x18200] =	vst v63  }
0x181: {  	v3 =	vperm.xlane v3, v2;
	s2 =	simm.s32 $0x4A00  }
0x182: {  	[tilespmem:s2], [sflag:$0x2] =	stream.indirect_vreg.gather [hbm4b:s5+s3], $0x80, v4, vm0, $0xb8;
	[tilespmem:$0x18200] =	vst v63  }
0x183: {  	v3 =	vadd.s32 v1, v3;
	s2 =	simm.s32 $0x5200  }
0x184: {  	[tilespmem:s2], [sflag:$0x2] =	stream.indirect_vreg.gather [hbm4b:s6+s3], $0x80, v4, vm0, $0xb8;
	[tilespmem:$0x18200] =	vst v63  }
0x185: {  	s2 =	simm.s32 $0x5A00  }
0x186: {  	[tilespmem:s2], [sflag:$0x2] =	stream.indirect_vreg.gather [hbm4b:s7+s3], $0x80, v4, vm0, $0xb8;
	[tilespmem:$0x18200] =	vst v63  }
0x187: {  	s2 =	simm.s32 $0x6200  }
0x188: {  	[tilespmem:s2], [sflag:$0x2] =	stream.indirect_vreg.gather [hbm4b:s1+s3], $0x80, v3, vm0, $0xb8;
	[tilespmem:$0x18200] =	vst v63  }
0x189: {  	s2 =	simm.s32 $0x6A00  }
0x18a: {  	[tilespmem:s2], [sflag:$0x2] =	stream.indirect_vreg.gather [hbm4b:s5+s3], $0x80, v3, vm0, $0xb8;
	[tilespmem:$0x18200] =	vst v63  }
0x18b: {  	s2 =	simm.s32 $0x7200  }
0x18c: {  	[tilespmem:s2], [sflag:$0x2] =	stream.indirect_vreg.gather [hbm4b:s6+s3], $0x80, v3, vm0, $0xb8;
	[tilespmem:$0x18200] =	vst v63  }
0x18d: {  	s2 =	simm.s32 $0x7A00  }
0x18e: {  	[tilespmem:s2], [sflag:$0x2] =	stream.indirect_vreg.gather [hbm4b:s7+s3], $0x80, v3, vm0, $0xb8;
	[tilespmem:$0x18200] =	vst v63  }
0x18f: {  	_ =	swait.ge [sflag:s25], $0x4000  }
0x190: {  	[sflag:s25] =	ssyncset.done $0x0  }
0x191: {  	s2 =	rddreg [dreg:$0xa];
	[sflag:s25] =	ssyncadd.s32 $0xFFFFC000  }
0x192: {  	[hbm4b:s2+s3] =	stream.linear.scatter [tilespmem:s29], [sflag:$0x8], $0x8000, $0x38;
	[tilespmem:$0x18200] =	vst v63  }
0x193: {  	_ =	swait.ge [sflag:s8], $0x8000  }
0x194: {  	[sflag:s8] =	ssyncset.done $0x0  }
0x195: {  	[sflag:s8] =	ssyncadd.s32 $0xFFFF8000  }
0x196: {  	v3 =	vld [tilespmem:$0x1E0];
	_ =	sdelay $0x4  }
0x197: {  	v62 =	vshll.u32 v3, $0x3  }
0x198: {  	v3 =	vand.u32 $0x7, v3;
	v4 =	vand.u32 $0xFFFFFFC0, v62  }
0x199: {  	v3 =	vor.u32 v3, v4  }
0x19a: {  	v4 =	vperm.xlane v3, v0;
	_ =	sdelay $0x1  }
0x19b: {  	v4 =	vadd.s32 v1, v4;
	_ =	sdelay $0x4  }
0x19c: {  	[tilespmem:s29], [sflag:$0x3] =	stream.indirect_vreg.gather [hbm4b:s1+s3], $0x80, v4, vm0, $0xb8;
	[tilespmem:$0x18200] =	vst v63  }
0x19d: {  	s2 =	simm.s32 $0x8A00;
	v3 =	vperm.xlane v3, v2  }
0x19e: {  	[tilespmem:s2], [sflag:$0x3] =	stream.indirect_vreg.gather [hbm4b:s5+s3], $0x80, v4, vm0, $0xb8;
	[tilespmem:$0x18200] =	vst v63  }
0x19f: {  	v3 =	vadd.s32 v1, v3;
	s2 =	simm.s32 $0x9200  }
0x1a0: {  	[tilespmem:s2], [sflag:$0x3] =	stream.indirect_vreg.gather [hbm4b:s6+s3], $0x80, v4, vm0, $0xb8;
	[tilespmem:$0x18200] =	vst v63  }
0x1a1: {  	s2 =	simm.s32 $0x9A00  }
0x1a2: {  	[tilespmem:s2], [sflag:$0x3] =	stream.indirect_vreg.gather [hbm4b:s7+s3], $0x80, v4, vm0, $0xb8;
	[tilespmem:$0x18200] =	vst v63  }
0x1a3: {  	s2 =	simm.s32 $0xA200  }
0x1a4: {  	[tilespmem:s2], [sflag:$0x3] =	stream.indirect_vreg.gather [hbm4b:s1+s3], $0x80, v3, vm0, $0xb8;
	[tilespmem:$0x18200] =	vst v63  }
0x1a5: {  	s2 =	simm.s32 $0xAA00  }
0x1a6: {  	[tilespmem:s2], [sflag:$0x3] =	stream.indirect_vreg.gather [hbm4b:s5+s3], $0x80, v3, vm0, $0xb8;
	[tilespmem:$0x18200] =	vst v63  }
0x1a7: {  	s2 =	simm.s32 $0xB200  }
0x1a8: {  	[tilespmem:s2], [sflag:$0x3] =	stream.indirect_vreg.gather [hbm4b:s6+s3], $0x80, v3, vm0, $0xb8;
	[tilespmem:$0x18200] =	vst v63  }
0x1a9: {  	s2 =	simm.s32 $0xBA00  }
0x1aa: {  	[tilespmem:s2], [sflag:$0x3] =	stream.indirect_vreg.gather [hbm4b:s7+s3], $0x80, v3, vm0, $0xb8;
	[tilespmem:$0x18200] =	vst v63  }
0x1ab: {  	_ =	swait.ge [sflag:s15], $0x4000  }
0x1ac: {  	[sflag:s15] =	ssyncset.done $0x0  }
0x1ad: {  	[sflag:s15] =	ssyncadd.s32 $0xFFFFC000  }
0x1ae: {  	v3 =	vld [tilespmem:$0x1F0];
	_ =	sdelay $0x4  }
0x1af: {  	v63 =	vshll.u32 v3, $0x3  }
0x1b0: {  	v3 =	vand.u32 $0x7, v3;
	v4 =	vand.u32 $0xFFFFFFC0, v63  }
0x1b1: {  	v3 =	vor.u32 v3, v4  }
0x1b2: {  	v4 =	vperm.xlane v3, v0;
	_ =	sdelay $0x1  }
0x1b3: {  	v4 =	vadd.s32 v1, v4;
	_ =	sdelay $0x3  }
0x1b4: {  	s15 =	simm.s32 $0xC200  }
0x1b5: {  	[tilespmem:s15], [sflag:$0x4] =	stream.indirect_vreg.gather [hbm4b:s1+s3], $0x80, v4, vm0, $0xb8;
	[tilespmem:$0x18200] =	vst v63  }
0x1b6: {  	v3 =	vperm.xlane v3, v2;
	s15 =	simm.s32 $0xCA00  }
0x1b7: {  	[tilespmem:s15], [sflag:$0x4] =	stream.indirect_vreg.gather [hbm4b:s5+s3], $0x80, v4, vm0, $0xb8;
	[tilespmem:$0x18200] =	vst v63  }
0x1b8: {  	v3 =	vadd.s32 v1, v3;
	s15 =	simm.s32 $0xD200  }
0x1b9: {  	[tilespmem:s15], [sflag:$0x4] =	stream.indirect_vreg.gather [hbm4b:s6+s3], $0x80, v4, vm0, $0xb8;
	[tilespmem:$0x18200] =	vst v63  }
0x1ba: {  	s15 =	simm.s32 $0xDA00  }
0x1bb: {  	[tilespmem:s15], [sflag:$0x4] =	stream.indirect_vreg.gather [hbm4b:s7+s3], $0x80, v4, vm0, $0xb8;
	[tilespmem:$0x18200] =	vst v63  }
0x1bc: {  	s15 =	simm.s32 $0xE200  }
0x1bd: {  	[tilespmem:s15], [sflag:$0x4] =	stream.indirect_vreg.gather [hbm4b:s1+s3], $0x80, v3, vm0, $0xb8;
	[tilespmem:$0x18200] =	vst v63  }
0x1be: {  	s15 =	simm.s32 $0xEA00  }
0x1bf: {  	[tilespmem:s15], [sflag:$0x4] =	stream.indirect_vreg.gather [hbm4b:s5+s3], $0x80, v3, vm0, $0xb8;
	[tilespmem:$0x18200] =	vst v63  }
0x1c0: {  	s15 =	simm.s32 $0xF200  }
0x1c1: {  	[tilespmem:s15], [sflag:$0x4] =	stream.indirect_vreg.gather [hbm4b:s6+s3], $0x80, v3, vm0, $0xb8;
	[tilespmem:$0x18200] =	vst v63  }
0x1c2: {  	s15 =	simm.s32 $0xFA00  }
0x1c3: {  	[tilespmem:s15], [sflag:$0x4] =	stream.indirect_vreg.gather [hbm4b:s7+s3], $0x80, v3, vm0, $0xb8;
	[tilespmem:$0x18200] =	vst v63  }
0x1c4: {  	_ =	swait.ge [sflag:s21], $0x4000  }
0x1c5: {  	[sflag:s21] =	ssyncset.done $0x0  }
0x1c6: {  	s9 =	simm.s32 $0x10200;
	s15 =	rddreg [dreg:$0xb];
	[sflag:s21] =	ssyncadd.s32 $0xFFFFC000  }
0x1c7: {  	[hbm4b:s15+s3] =	stream.linear.scatter [tilespmem:s9], [sflag:$0x9], $0x8000, $0x38;
	[tilespmem:$0x18200] =	vst v63  }
0x1c8: {  	_ =	swait.ge [sflag:s0], $0x4000  }
0x1c9: {  	[sflag:s0] =	ssyncset.done $0x0  }
0x1ca: {  	[sflag:s0] =	ssyncadd.s32 $0xFFFFC000  }
0x1cb: {  	_ =	swait.ge [sflag:s22], $0x4000  }
0x1cc: {  	[sflag:s22] =	ssyncset.done $0x0  }
0x1cd: {  	s21 =	rddreg [dreg:$0xc];
	[sflag:s22] =	ssyncadd.s32 $0xFFFFC000  }
0x1ce: {  	[hbm4b:s21+s3] =	stream.linear.scatter [tilespmem:s20], [sflag:$0x7], $0x8000, $0x38;
	[tilespmem:$0x18200] =	vst v63  }
0x1cf: {  	_ =	swait.ge [sflag:s24], $0x4000  }
0x1d0: {  	[sflag:s24] =	ssyncset.done $0x0  }
0x1d1: {  	[sflag:s24] =	ssyncadd.s32 $0xFFFFC000  }
0x1d2: {  	_ =	swait.ge [sflag:s25], $0x4000  }
0x1d3: {  	[sflag:s25] =	ssyncset.done $0x0  }
0x1d4: {  	s24 =	rddreg [dreg:$0xd];
	[sflag:s25] =	ssyncadd.s32 $0xFFFFC000  }
0x1d5: {  	[hbm4b:s24+s3] =	stream.linear.scatter [tilespmem:s29], [sflag:$0x8], $0x8000, $0x38;
	[tilespmem:$0x18200] =	vst v63  }
0x1d6: {  	_ =	swait.ge [sflag:s4], $0x8000  }
0x1d7: {  	[sflag:s4] =	ssyncset.done $0x0  }
0x1d8: {  	[sflag:s4] =	ssyncadd.s32 $0xFFFF8000  }
0x1d9: {  	_ =	swait.ge [sflag:s23], $0x8000  }
0x1da: {  	[sflag:s23] =	ssyncset.done $0x0  }
0x1db: {  	[sflag:s23] =	ssyncadd.s32 $0xFFFF8000  }
0x1dc: {  	p0 =	sne.s32 s10, $0x1;
	_ =	swait.ge [sflag:s8], $0x8000  }
.Ltmp0:
0x1dd: {  	[sflag:s8] =	ssyncset.done $0x0;
	(pc) =	sbr.rel @p0 .LBB2_1-.Ltmp0, $4  }
0x1de: {  	s25 =	simm.s32 $0xA;
	[sflag:s8] =	ssyncadd.s32 $0xFFFF8000  }
0x1df: {  	_ =	swait.ge [sflag:s25], $0x100  }
0x1e0: {  	[sflag:s25] =	ssyncset.done $0x0  }
0x1e1: {  	s10 =	sadd.s32 $0xFFFFFFFF, s10;
	[sflag:s25] =	ssyncadd.s32 $0xFFFFFF00  }
0x1e2: {  	_ =	sfence.sel $0x180000  }
0x1e3: {  	[bflag:$0x0] =	sbarrier.arrive $0xFFFF  }
0x1e4: {  	_ =	strace $0x90000047  }
0x1e5: {  	s0 =	stileid.u32;
	[bflag:$0x2] =	sbarrier.arrive $0xFFFF  }
0x1e6: {  	p0 =	sne.s32 s0, $0x0;
	s0 =	rddreg [dreg:$0x4]  }
0x1e7: {  	s0 =	sadd.s32 @!p0 $0x100000, s0  }
0x1e8: {  	[sflag:s0] =	ssyncadd.tile.s32 @!p0 $0x1;
	_ =	shalt  }
.Lfunc_end2:
_tile_overlayer_lowered:
.L_overlay_start_2:
0x1e9: {  	(tag) =	ssettag $0x2  }
0x1ea: {  	s0 =	rddreg [dreg:$0x0];
	s2 =	stileid.u32  }
0x1eb: {  	s1 =	rddreg [dreg:$0x1];
	p0 =	sne.s32 s2, $0x0  }
0x1ec: {  	s3 =	rddreg [dreg:$0x2];
	[bflag:$0x3] =	sbarrier.arrive $0xFFFF;
	s2 =	simm.s32 @!p0 $0x1C0B  }
0x1ed: {  	[timem:s3], [sflag:s2] =	dma.local @!p0 [hbm:s0], s1  }
0x1ee: {  	s0 =	simm.s32 @!p0 $0xB  }
0x1ef: {  	_ =	swait.ge @!p0 [sflag:s0], s1  }
0x1f0: {  	s1 =	ssub.s32 @!p0 $0x0, s1;
	[sflag:s0] =	ssyncset.done @!p0 $0x0  }
0x1f1: {  	[sflag:s0] =	ssyncadd.s32 @!p0 s1  }
0x1f2: {  	[bflag:$0x3] =	sbarrier.arrive $0xFFFF  }
0x1f3: {  	_ =	shalt  }

</sc_bundles>
